<compile_context>
chip_gen: v7x
topology: tpu7x:2x2x1
jax: 0.10.2.dev20260603
libtpu: 0.0.44.dev20260713+nightly
codegen_flags: <defaults>
</compile_context>

<pallas_src>
import functools
import numpy as np
import jax
import jax.numpy as jnp
from jax import lax
from jax.experimental import pallas as pl
from jax.experimental.pallas import tpu as pltpu
from jax.experimental.pallas import tpu_sc as plsc

N = 10000
E = 320000
B = 8
D = 128
NCLS = 16
SEG = N // B
HSIZE = N * NCLS
HPAD = HSIZE + 8

NUM_CORES = 2
NUM_SUBCORES = 16
W = NUM_CORES * NUM_SUBCORES
EPW = E // W
IDX_COLS = 128
FULL_ROWS = EPW // IDX_COLS
IDX_ROWS = FULL_ROWS + 1

COLS = 1408
TRI = SEG * (SEG - 1) // 2
OUTP = 781952
CHAINS = 10
STRIDE = SEG // CHAINS
ROWT = 5


def _hist_body(xcls_hbm, src_hbm, dst_hbm, out_hbm,
               xcls_v, src_v, dst_v, idx_v, upd_v, zero_v, hist_sh, sem):
    c = lax.axis_index("c")
    s = lax.axis_index("s")
    wid = c * NUM_SUBCORES + s
    base = wid * EPW
    sbase = s * (HSIZE // NUM_SUBCORES)

    pltpu.sync_copy(xcls_hbm, xcls_v)
    pltpu.sync_copy(src_hbm.at[pl.ds(base, EPW)], src_v)
    pltpu.sync_copy(dst_hbm.at[pl.ds(base, EPW)], dst_v)

    ones16 = jnp.full((16,), 1.0, jnp.float32)
    zeros16 = jnp.zeros((16,), jnp.float32)
    trash16 = jnp.full((16,), HSIZE, jnp.int32)

    def zfill(i, _):
        zero_v[pl.ds(i * 16, 16)] = zeros16
        return 0
    lax.fori_loop(0, (HSIZE // NUM_SUBCORES) // 16, zfill, 0)
    pltpu.sync_copy(zero_v, hist_sh.at[pl.ds(sbase, HSIZE // NUM_SUBCORES)])

    def ifill(i, _):
        r = i // 8
        col = (i % 8) * 16
        upd_v[r, pl.ds(col, 16)] = ones16
        idx_v[r, pl.ds(col, 16)] = trash16
        return 0
    lax.fori_loop(0, IDX_ROWS * 8, ifill, 0)

    def efill(j, _):
        sv = src_v[pl.ds(j * 16, 16)]
        dv = dst_v[pl.ds(j * 16, 16)]
        cls = plsc.load_gather(xcls_v, [sv])
        flat = dv * 16 + cls
        r = j // 8
        col = (j % 8) * 16
        idx_v[r, pl.ds(col, 16)] = flat
        return 0
    lax.fori_loop(0, EPW // 16, efill, 0)

    plsc.subcore_barrier()

    def scat(r, _):
        pltpu.async_copy(upd_v.at[r], hist_sh.at[idx_v.at[r]], sem, add=True)
        return 0
    lax.fori_loop(0, IDX_ROWS, scat, 0)

    def drain(r, _):
        pltpu.make_async_copy(upd_v.at[0], hist_sh.at[idx_v.at[0]], sem).wait()
        return 0
    lax.fori_loop(0, IDX_ROWS, drain, 0)

    plsc.subcore_barrier()

    pltpu.sync_copy(hist_sh.at[pl.ds(sbase, HSIZE // NUM_SUBCORES)], zero_v)
    pltpu.sync_copy(zero_v,
                    out_hbm.at[pl.ds(c * HSIZE + sbase, HSIZE // NUM_SUBCORES)])


def _histogram(xcls, src, dst):
    mesh = plsc.VectorSubcoreMesh(core_axis_name="c", subcore_axis_name="s")
    f = functools.partial(
        pl.kernel,
        mesh=mesh,
        compiler_params=pltpu.CompilerParams(needs_layout_passes=False),
        out_type=jax.ShapeDtypeStruct((NUM_CORES * HSIZE,), jnp.float32),
        scratch_types=[
            pltpu.VMEM((N,), jnp.int32),
            pltpu.VMEM((EPW,), jnp.int32),
            pltpu.VMEM((EPW,), jnp.int32),
            pltpu.VMEM((IDX_ROWS, IDX_COLS), jnp.int32),
            pltpu.VMEM((IDX_ROWS, IDX_COLS), jnp.float32),
            pltpu.VMEM((HSIZE // NUM_SUBCORES,), jnp.float32),
            pltpu.VMEM_SHARED((HPAD,), jnp.float32),
            pltpu.SemaphoreType.DMA,
        ],
    )(_hist_body)
    return f(xcls, src, dst)


def _ln(h, g, b):
    mu = jnp.mean(h, axis=-1, keepdims=True)
    var = jnp.mean((h - mu) * (h - mu), axis=-1, keepdims=True)
    return (h - mu) / jnp.sqrt(var + 1e-5) * g + b


def _dot(a, b):
    return jnp.dot(a.astype(jnp.bfloat16), b.astype(jnp.bfloat16),
                   preferred_element_type=jnp.float32)


def _main_body(part_ref, xc_ref, ehi,
               w1, b1, g1, be1, w2, b2, g2, be2, w3, b3,
               sw1, sb1, sw2, sb2, ng, nb,
               w1s, b1s, g1s, be1s, w2s, b2s, g2s, be2s, w3s, b3s,
               s_ref, act_ref, nc_ref, ec_ref):
    cnt = part_ref[0, 0] + part_ref[1, 0]
    cls = xc_ref[0]
    onehot = (cls == lax.broadcasted_iota(jnp.int32, (SEG, NCLS), 1))
    c = cnt + onehot.astype(jnp.float32)
    h = jax.lax.dot(c, ehi[...], precision=jax.lax.Precision.HIGHEST,
                    preferred_element_type=jnp.float32)
    t = _dot(h, w1[...]) + b1[...]
    t = jnp.maximum(_ln(t, g1[...], be1[...]), 0.0)
    t = _dot(t, w2[...]) + b2[...]
    t = jnp.maximum(_ln(t, g2[...], be2[...]), 0.0)
    t = _dot(t, w3[...]) + b3[...]
    t = jnp.maximum(_dot(t, sw1[...]) + sb1[...], 0.0)
    t = _dot(t, sw2[...]) + sb2[...]
    xf = _ln(t, ng[...], nb[...])

    xb = xf.astype(jnp.bfloat16)
    s = lax.dot_general(xb, xb, (((1,), (1,)), ((), ())),
                        preferred_element_type=jnp.float32)
    s_ref[0, :, pl.ds(0, SEG)] = s * np.float32(1.0 / np.sqrt(D))

    gm = jnp.mean(xf, axis=0, keepdims=True)
    outs = []
    for i in range(4):
        hh = _dot(gm, w1s[i]) + b1s[i]
        hh = jnp.maximum(_ln(hh, g1s[i], be1s[i]), 0.0)
        hh = jnp.maximum(_ln(_dot(hh, w2s[i]) + b2s[i], g2s[i], be2s[i]), 0.0)
        outs.append(_dot(hh, w3s[i]) + b3s[i])
    addn, exitl, ncl, ecl = outs
    zero = jnp.zeros((1, 1), jnp.float32)
    act_ref[0] = jnp.concatenate([addn[:, 0:1], zero, exitl[:, 0:1]], axis=1)
    nc_ref[0] = ncl
    ec_ref[0] = ecl[:, 0:4]


def _main(parts, xcls, p):
    g = p["gin_mlp"]
    row = lambda v: v.reshape(1, -1)
    mlps = [p["add_node_mlp"], p["exit_mlp"], p["node_class_mlp"],
            p["edge_class_mlp"]]
    st = lambda k: jnp.stack([m[k] for m in mlps])
    w3s = jnp.stack([
        jnp.pad(m["W3"], ((0, 0), (0, NCLS - m["W3"].shape[1])))
        for m in mlps])
    b3s = jnp.stack([jnp.pad(m["b3"], (0, NCLS - m["b3"].shape[0]))
                     for m in mlps])
    args = [
        parts.reshape(NUM_CORES, B, SEG, NCLS),
        xcls.reshape(B, SEG, 1),
        p["embedding"],
        g["W1"], row(g["b1"]), row(g["g1"]), row(g["be1"]),
        g["W2"], row(g["b2"]), row(g["g2"]), row(g["be2"]),
        g["W3"], row(g["b3"]),
        p["seq_W1"], row(p["seq_b1"]), p["seq_W2"], row(p["seq_b2"]),
        row(p["norm_g"]), row(p["norm_b"]),
        st("W1"), st("b1"), st("g1"), st("be1"),
        st("W2"), st("b2"), st("g2"), st("be2"), w3s, b3s,
    ]

    def full(a):
        nd = a.ndim
        return pl.BlockSpec(a.shape, lambda i, nd=nd: (0,) * nd)

    specs = [
        pl.BlockSpec((NUM_CORES, 1, SEG, NCLS), lambda i: (0, i, 0, 0)),
        pl.BlockSpec((1, SEG, 1), lambda i: (i, 0, 0)),
    ] + [full(a) for a in args[2:]]
    spad, act, nc, ec = pl.pallas_call(
        _main_body,
        grid=(B,),
        in_specs=specs,
        out_specs=[
            pl.BlockSpec((1, SEG, COLS), lambda i: (i, 0, 0)),
            pl.BlockSpec((1, 1, 3), lambda i: (i, 0, 0)),
            pl.BlockSpec((1, 1, NCLS), lambda i: (i, 0, 0)),
            pl.BlockSpec((1, 1, 4), lambda i: (i, 0, 0)),
        ],
        out_shape=[
            jax.ShapeDtypeStruct((B, SEG, COLS), jnp.float32),
            jax.ShapeDtypeStruct((B, 1, 3), jnp.float32),
            jax.ShapeDtypeStruct((B, 1, NCLS), jnp.float32),
            jax.ShapeDtypeStruct((B, 1, 4), jnp.float32),
        ],
    )(*args)
    return spad, act.reshape(B, 3), nc.reshape(B, NCLS), ec.reshape(B, 4)


WLEN = COLS


def _extract_body(s_ref, out_ref):
    r0 = pl.program_id(0) * ROWT
    u = lax.broadcasted_iota(jnp.int32, (B, WLEN), 1)

    def body(t, _):
        x = r0 + t
        for c in range(CHAINS):
            i = c * STRIDE + x
            prow = s_ref[:, c, 0, t, :]
            off = i * (SEG - 1) - (i * (i - 1)) // 2
            a = pl.multiple_of((off // 128) * 128, 128)
            delta = off - a
            q = i + 1 - delta
            shifted = pltpu.roll(prow, lax.rem(2 * WLEN - q, WLEN), axis=1)
            cur = out_ref[:, pl.ds(a, WLEN)]
            keep = (u >= delta) & (u < delta + (SEG - 1 - i))
            out_ref[:, pl.ds(a, WLEN)] = jnp.where(keep, shifted, cur)
        return 0

    lax.fori_loop(0, ROWT, body, 0)


def _extract(spad):
    spad = spad.reshape(B, CHAINS, STRIDE // ROWT, ROWT, COLS)
    return pl.pallas_call(
        _extract_body,
        grid=(STRIDE // ROWT,),
        in_specs=[pl.BlockSpec((B, CHAINS, 1, ROWT, COLS),
                               lambda i: (0, 0, i, 0, 0))],
        out_specs=pl.BlockSpec((B, OUTP), lambda i: (0, 0)),
        out_shape=jax.ShapeDtypeStruct((B, OUTP), jnp.float32),
        compiler_params=pltpu.CompilerParams(
            dimension_semantics=("arbitrary",)),
    )(spad)


def kernel(x, edge_index, ptr, params):
    xcls = x.reshape(N)
    parts = _histogram(xcls, edge_index[0], edge_index[1])
    spad, act, ncl, ecl = _main(parts, xcls, params)
    logits = _extract(spad)[:, :TRI]
    return act, ncl, ecl, logits

# --- scband reference (transcript-rebuilt; emitter-appended) ---
"""Pipeline reference for scband-graph-node-edge-action-2697239462645 (READ-ONLY COPY).

The authoritative reference and input builder live on the scoring server;
editing this copy changes nothing except your own understanding.
"""

import jax, jax.numpy as jnp
import numpy as np

N = 10000
E = 320000
B = 8
D = 128
NUM_NODE_CLASSES = 16
NUM_EDGE_CLASSES = 4


def _mlp_params(key, din, dh, dout):
    k1, k2, k3 = jax.random.split(key, 3)
    s1 = 1.0 / np.sqrt(din)
    s2 = 1.0 / np.sqrt(dh)
    return {
        'W1': jax.random.uniform(k1, (din, dh), minval=-s1, maxval=s1, dtype=jnp.float32),
        'b1': jnp.zeros((dh,), jnp.float32),
        'g1': jnp.ones((dh,), jnp.float32),
        'be1': jnp.zeros((dh,), jnp.float32),
        'W2': jax.random.uniform(k2, (dh, dh), minval=-s2, maxval=s2, dtype=jnp.float32),
        'b2': jnp.zeros((dh,), jnp.float32),
        'g2': jnp.ones((dh,), jnp.float32),
        'be2': jnp.zeros((dh,), jnp.float32),
        'W3': jax.random.uniform(k3, (dh, dout), minval=-s2, maxval=s2, dtype=jnp.float32),
        'b3': jnp.zeros((dout,), jnp.float32),
    }


def _ln(x, g, b):
    mu = jnp.mean(x, axis=-1, keepdims=True)
    var = jnp.var(x, axis=-1, keepdims=True)
    return (x - mu) / jnp.sqrt(var + 1e-5) * g + b


def _mlp(p, x):
    h = x @ p['W1'] + p['b1']
    h = jax.nn.relu(_ln(h, p['g1'], p['be1']))
    h = h @ p['W2'] + p['b2']
    h = jax.nn.relu(_ln(h, p['g2'], p['be2']))
    return h @ p['W3'] + p['b3']


def setup_inputs(seed: int = 0):
    key = jax.random.key(seed)
    ks = jax.random.split(key, 12)
    x = jax.random.randint(ks[0], (N, 1), 0, NUM_NODE_CLASSES, dtype=jnp.int32)
    edge_index = jax.random.randint(ks[1], (2, E), 0, N, dtype=jnp.int32)
    ptr = jnp.asarray(np.arange(B + 1) * (N // B), dtype=jnp.int32)
    sd = 1.0 / np.sqrt(D)
    params = {
        'embedding': jax.random.normal(ks[2], (NUM_NODE_CLASSES, D), jnp.float32),
        'gin_mlp': _mlp_params(ks[3], D, D, D),
        'seq_W1': jax.random.uniform(ks[4], (D, D), minval=-sd, maxval=sd, dtype=jnp.float32),
        'seq_b1': jnp.zeros((D,), jnp.float32),
        'seq_W2': jax.random.uniform(ks[5], (D, D), minval=-sd, maxval=sd, dtype=jnp.float32),
        'seq_b2': jnp.zeros((D,), jnp.float32),
        'norm_g': jnp.ones((D,), jnp.float32),
        'norm_b': jnp.zeros((D,), jnp.float32),
        'exit_mlp': _mlp_params(ks[6], D, D, 1),
        'add_node_mlp': _mlp_params(ks[7], D, D, 1),
        'node_class_mlp': _mlp_params(ks[8], D, D, NUM_NODE_CLASSES),
        'edge_class_mlp': _mlp_params(ks[9], D, D, NUM_EDGE_CLASSES),
    }
    return {'x': x, 'edge_index': edge_index, 'ptr': ptr, 'params': params}


def _forward(x_idx, edge_index, ptr, params):
    # embedding lookup (gather)
    x = jnp.take(params['embedding'], x_idx[:, 0], axis=0)
    # GINConv (eps=0): nn(x + sum_{j in N(i)} x_j), message from src aggregated at dst
    src = edge_index[0]
    dst = edge_index[1]
    agg = jnp.zeros_like(x).at[dst].add(x[src])
    x_new = _mlp(params['gin_mlp'], x + agg)
    # post-conv Sequential(Linear, ReLU, Linear)
    x_new = jax.nn.relu(x_new @ params['seq_W1'] + params['seq_b1']) @ params['seq_W2'] + params['seq_b2']
    x = x_new  # i == 0: no residual
    x = _ln(x, params['norm_g'], params['norm_b'])
    # _group_mean via cumsum, faithful to torch code
    cs = jnp.concatenate([jnp.zeros((1, D), x.dtype), jnp.cumsum(x, axis=0)], axis=0)
    size = ptr[1:] - ptr[:-1]
    denom = jnp.clip(size, 1, None).astype(x.dtype)
    sums = cs[ptr[1:]] - cs[ptr[:-1]]
    means = sums / denom[:, None]
    graph_emb = jnp.where((size == 0)[:, None], 0.0, means)
    add_node_logit = _mlp(params['add_node_mlp'], graph_emb)[:, 0]
    exit_logit = _mlp(params['exit_mlp'], graph_emb)[:, 0]
    # action_type: [ADD_NODE, ADD_EDGE=0.0, EXIT]
    action_type = jnp.stack([add_node_logit, jnp.zeros_like(add_node_logit), exit_logit], axis=-1)
    node_class_logits = _mlp(params['node_class_mlp'], graph_emb)
    edge_class_logits = _mlp(params['edge_class_mlp'], graph_emb)
    num_graphs = ptr.shape[0] - 1
    max_nodes = x.shape[0] // num_graphs
    padded = jnp.stack(
        [jax.lax.dynamic_slice(x, (ptr[b], 0), (max_nodes, D)) for b in range(num_graphs)],
        axis=0,
    )
    scores = jnp.einsum('bnf,bmf->bnm', padded, padded) / np.sqrt(max(1, D))
    ei0, ei1 = np.triu_indices(max_nodes, k=1)
    edge_index_logits = scores[:, ei0, ei1]
    return action_type, node_class_logits, edge_class_logits, edge_index_logits


def reference(x, edge_index, ptr, params):
    return _forward(x, edge_index, ptr, params)

if __name__ == "__main__":
    import jax
    _d = setup_inputs()
    print(jax.jit(kernel)(*tuple(_d.values())))

</pallas_src>

<mosaic_0001>
#map = affine_map<(d0, d1) -> (0)>
module attributes {stable_mosaic.version = 14 : i64} {
  func.func @_hist_body(%arg0: i32, %arg1: i32, %arg2: memref<10000xi32, #tpu.memory_space<hbm>>, %arg3: memref<320000xi32, #tpu.memory_space<hbm>>, %arg4: memref<320000xi32, #tpu.memory_space<hbm>>, %arg5: memref<320000xf32, #tpu.memory_space<hbm>>, %arg6: memref<10000xi32, #tpu.memory_space<vmem>>, %arg7: memref<10000xi32, #tpu.memory_space<vmem>>, %arg8: memref<10000xi32, #tpu.memory_space<vmem>>, %arg9: memref<79x128xi32, #tpu.memory_space<vmem>>, %arg10: memref<79x128xf32, #tpu.memory_space<vmem>>, %arg11: memref<10000xf32, #tpu.memory_space<vmem>>, %arg12: memref<160008xf32, #tpu.memory_space<vmem_shared>>, %arg13: memref<!tpu.dma_semaphore, #tpu.memory_space<semaphore_mem>>) attributes {dimension_semantics = [#tpu.dimension_semantics<core_parallel>, #tpu.dimension_semantics<subcore_parallel>], iteration_bounds = array<i64: 2, 16>, scalar_prefetch = 0 : i64, scratch_operands = 8 : i64, tpu.core_type = #tpu.core_type<sc_vector_subcore>, window_params = [{transform_indices = #map}, {transform_indices = #map}, {transform_indices = #map}, {transform_indices = #map}]} {
    %mul3A = arith.constant 16 : i32
    %mul3A_0 = arith.muli %arg0, %mul3A : i32
    %add3A = arith.addi %mul3A_0, %arg1 : i32
    %mul3A_1 = arith.constant 10000 : i32
    %mul3A_2 = arith.muli %add3A, %mul3A_1 : i32
    %mul3A_3 = arith.constant 10000 : i32
    %mul3A_4 = arith.muli %arg1, %mul3A_3 : i32
    "tpu.region"() ({
      %run_scoped3A = tpu.sem_alloc : memref<!tpu.dma_semaphore, #tpu.memory_space<semaphore_mem>>
      tpu.enqueue_dma source(%arg2 : memref<10000xi32, #tpu.memory_space<hbm>>) target(%arg6 : memref<10000xi32, #tpu.memory_space<vmem>>) target_semaphore(%run_scoped3A : memref<!tpu.dma_semaphore, #tpu.memory_space<semaphore_mem>>)
      tpu.wait_dma2 semaphore(%run_scoped3A : memref<!tpu.dma_semaphore, #tpu.memory_space<semaphore_mem>>) src(%arg2 : memref<10000xi32, #tpu.memory_space<hbm>>) dst(%arg6 : memref<10000xi32, #tpu.memory_space<vmem>>)
      tpu.yield
    }) : () -> ()
    "tpu.region"() ({
      %run_scoped3A = tpu.sem_alloc : memref<!tpu.dma_semaphore, #tpu.memory_space<semaphore_mem>>
      %dma_start3A = tpu.memref_slice %arg3[%mul3A_2] : memref<320000xi32, #tpu.memory_space<hbm>> -> memref<10000xi32, #tpu.memory_space<hbm>>
      %dma_start3A_48 = tpu.memref_slice %arg3[%mul3A_2] : memref<320000xi32, #tpu.memory_space<hbm>> -> memref<10000xi32, #tpu.memory_space<hbm>>
      tpu.enqueue_dma source(%dma_start3A_48 : memref<10000xi32, #tpu.memory_space<hbm>>) target(%arg7 : memref<10000xi32, #tpu.memory_space<vmem>>) target_semaphore(%run_scoped3A : memref<!tpu.dma_semaphore, #tpu.memory_space<semaphore_mem>>)
      %dma_wait3A = tpu.memref_slice %arg3[%mul3A_2] : memref<320000xi32, #tpu.memory_space<hbm>> -> memref<10000xi32, #tpu.memory_space<hbm>>
      %dma_wait3A_49 = tpu.memref_slice %arg3[%mul3A_2] : memref<320000xi32, #tpu.memory_space<hbm>> -> memref<10000xi32, #tpu.memory_space<hbm>>
      tpu.wait_dma2 semaphore(%run_scoped3A : memref<!tpu.dma_semaphore, #tpu.memory_space<semaphore_mem>>) src(%dma_wait3A_49 : memref<10000xi32, #tpu.memory_space<hbm>>) dst(%arg7 : memref<10000xi32, #tpu.memory_space<vmem>>)
      tpu.yield
    }) : () -> ()
    "tpu.region"() ({
      %run_scoped3A = tpu.sem_alloc : memref<!tpu.dma_semaphore, #tpu.memory_space<semaphore_mem>>
      %dma_start3A = tpu.memref_slice %arg4[%mul3A_2] : memref<320000xi32, #tpu.memory_space<hbm>> -> memref<10000xi32, #tpu.memory_space<hbm>>
      %dma_start3A_48 = tpu.memref_slice %arg4[%mul3A_2] : memref<320000xi32, #tpu.memory_space<hbm>> -> memref<10000xi32, #tpu.memory_space<hbm>>
      tpu.enqueue_dma source(%dma_start3A_48 : memref<10000xi32, #tpu.memory_space<hbm>>) target(%arg8 : memref<10000xi32, #tpu.memory_space<vmem>>) target_semaphore(%run_scoped3A : memref<!tpu.dma_semaphore, #tpu.memory_space<semaphore_mem>>)
      %dma_wait3A = tpu.memref_slice %arg4[%mul3A_2] : memref<320000xi32, #tpu.memory_space<hbm>> -> memref<10000xi32, #tpu.memory_space<hbm>>
      %dma_wait3A_49 = tpu.memref_slice %arg4[%mul3A_2] : memref<320000xi32, #tpu.memory_space<hbm>> -> memref<10000xi32, #tpu.memory_space<hbm>>
      tpu.wait_dma2 semaphore(%run_scoped3A : memref<!tpu.dma_semaphore, #tpu.memory_space<semaphore_mem>>) src(%dma_wait3A_49 : memref<10000xi32, #tpu.memory_space<hbm>>) dst(%arg8 : memref<10000xi32, #tpu.memory_space<vmem>>)
      tpu.yield
    }) : () -> ()
    %broadcast_in_dim3A = arith.constant 1.000000e+00 : f32
    %broadcast_in_dim3A_5 = vector.broadcast %broadcast_in_dim3A : f32 to vector<16xf32>
    %broadcast_in_dim3A_6 = arith.constant 0.000000e+00 : f32
    %broadcast_in_dim3A_7 = vector.broadcast %broadcast_in_dim3A_6 : f32 to vector<16xf32>
    %broadcast_in_dim3A_8 = arith.constant 160000 : i32
    %broadcast_in_dim3A_9 = vector.broadcast %broadcast_in_dim3A_8 : i32 to vector<16xi32>
    %scan3A = arith.constant 0 : i32
    %scan3A_10 = arith.constant 0 : i32
    %scan3A_11 = arith.constant 625 : i32
    %scan3A_12 = arith.addi %scan3A_10, %scan3A_11 : i32
    %scan3A_13 = arith.constant 1 : i32
    %scan3A_14 = scf.for %scan3A_48 = %scan3A_10 to %scan3A_12 step %scan3A_13 iter_args(%scan3A_49 = %scan3A) -> (i32)  : i32 {
      %mul3A_50 = arith.constant 16 : i32
      %mul3A_51 = arith.muli %scan3A_48, %mul3A_50 : i32
      %swap3A = arith.index_cast %mul3A_51 : i32 to index
      %swap3A_52 = tpu.vector_load %arg11[%swap3A] {strides = array<i32>} : memref<10000xf32, #tpu.memory_space<vmem>>, vector<16xf32>,
      tpu.vector_store %arg11[%swap3A], %broadcast_in_dim3A_7 {strides = array<i32>} : memref<10000xf32, #tpu.memory_space<vmem>>, vector<16xf32>,
      %scan3A_53 = arith.constant 0 : i32
      scf.yield %scan3A_53 : i32
    }
    %scan3A_15 = arith.constant 625 : i32
    "tpu.region"() ({
      %run_scoped3A = tpu.sem_alloc : memref<!tpu.dma_semaphore, #tpu.memory_space<semaphore_mem>>
      %dma_start3A = tpu.memref_slice %arg12[%mul3A_4] : memref<160008xf32, #tpu.memory_space<vmem_shared>> -> memref<10000xf32, #tpu.memory_space<vmem_shared>>
      %dma_start3A_48 = tpu.memref_slice %arg12[%mul3A_4] : memref<160008xf32, #tpu.memory_space<vmem_shared>> -> memref<10000xf32, #tpu.memory_space<vmem_shared>>
      tpu.enqueue_dma source(%arg11 : memref<10000xf32, #tpu.memory_space<vmem>>) target(%dma_start3A_48 : memref<10000xf32, #tpu.memory_space<vmem_shared>>) target_semaphore(%run_scoped3A : memref<!tpu.dma_semaphore, #tpu.memory_space<semaphore_mem>>)
      %dma_wait3A = tpu.memref_slice %arg12[%mul3A_4] : memref<160008xf32, #tpu.memory_space<vmem_shared>> -> memref<10000xf32, #tpu.memory_space<vmem_shared>>
      %dma_wait3A_49 = tpu.memref_slice %arg12[%mul3A_4] : memref<160008xf32, #tpu.memory_space<vmem_shared>> -> memref<10000xf32, #tpu.memory_space<vmem_shared>>
      tpu.wait_dma2 semaphore(%run_scoped3A : memref<!tpu.dma_semaphore, #tpu.memory_space<semaphore_mem>>) src(%arg11 : memref<10000xf32, #tpu.memory_space<vmem>>) dst(%dma_wait3A_49 : memref<10000xf32, #tpu.memory_space<vmem_shared>>)
      tpu.yield
    }) : () -> ()
    %scan3A_16 = arith.constant 0 : i32
    %scan3A_17 = arith.constant 0 : i32
    %scan3A_18 = arith.constant 632 : i32
    %scan3A_19 = arith.addi %scan3A_17, %scan3A_18 : i32
    %scan3A_20 = arith.constant 1 : i32
    %scan3A_21 = scf.for %scan3A_48 = %scan3A_17 to %scan3A_19 step %scan3A_20 iter_args(%scan3A_49 = %scan3A_16) -> (i32)  : i32 {
      %jit3A = arith.constant 8 : i32
      %div3A = arith.divsi %scan3A_48, %jit3A : i32
      %sign3A = arith.constant 0 : i32
      %sign3A_50 = arith.cmpi sgt, %scan3A_48, %sign3A : i32
      %sign3A_51 = arith.extui %sign3A_50 : i1 to i32
      %sign3A_52 = arith.constant 0 : i32
      %sign3A_53 = arith.cmpi slt, %scan3A_48, %sign3A_52 : i32
      %sign3A_54 = arith.extui %sign3A_53 : i1 to i32
      %sign3A_55 = arith.subi %sign3A_51, %sign3A_54 : i32
      %sign3A_56 = arith.constant 0 : i32
      %sign3A_57 = arith.cmpi sgt, %jit3A, %sign3A_56 : i32
      %sign3A_58 = arith.extui %sign3A_57 : i1 to i32
      %sign3A_59 = arith.constant 0 : i32
      %sign3A_60 = arith.cmpi slt, %jit3A, %sign3A_59 : i32
      %sign3A_61 = arith.extui %sign3A_60 : i1 to i32
      %sign3A_62 = arith.subi %sign3A_58, %sign3A_61 : i32
      %ne3A = arith.cmpi ne, %sign3A_55, %sign3A_62 : i32
      %rem3A = arith.remsi %scan3A_48, %jit3A : i32
      %ne3A_63 = arith.constant 0 : i32
      %ne3A_64 = arith.cmpi ne, %rem3A, %ne3A_63 : i32
      %and3A = arith.andi %ne3A, %ne3A_64 : i1
      %sub3A = arith.constant 1 : i32
      %sub3A_65 = arith.subi %div3A, %sub3A : i32
      %select_n3A = arith.select %and3A, %sub3A_65, %div3A : i32
      %jit3A_66 = arith.constant 8 : i32
      %eq3A = arith.constant 0 : i32
      %eq3A_67 = arith.cmpi eq, %jit3A_66, %eq3A : i32
      %jit3A_68 = arith.constant 1 : i32
      %select_n3A_69 = arith.select %eq3A_67, %jit3A_68, %jit3A_66 : i32
      %rem3A_70 = arith.remsi %scan3A_48, %select_n3A_69 : i32
      %ne3A_71 = arith.constant 0 : i32
      %ne3A_72 = arith.cmpi ne, %rem3A_70, %ne3A_71 : i32
      %lt3A = arith.constant 0 : i32
      %lt3A_73 = arith.cmpi slt, %rem3A_70, %lt3A : i32
      %lt3A_74 = arith.constant 0 : i32
      %lt3A_75 = arith.cmpi slt, %select_n3A_69, %lt3A_74 : i32
      %ne3A_76 = arith.xori %lt3A_73, %lt3A_75 : i1
      %and3A_77 = arith.andi %ne3A_76, %ne3A_72 : i1
      %add3A_78 = arith.addi %rem3A_70, %select_n3A_69 : i32
      %select_n3A_79 = arith.select %and3A_77, %add3A_78, %rem3A_70 : i32
      %mul3A_80 = arith.constant 16 : i32
      %mul3A_81 = arith.muli %select_n3A_79, %mul3A_80 : i32
      %swap3A = arith.index_cast %select_n3A : i32 to index
      %swap3A_82 = arith.index_cast %mul3A_81 : i32 to index
      %swap3A_83 = tpu.vector_load %arg10[%swap3A, %swap3A_82] {strides = array<i32>} : memref<79x128xf32, #tpu.memory_space<vmem>>, vector<16xf32>,
      tpu.vector_store %arg10[%swap3A, %swap3A_82], %broadcast_in_dim3A_5 {strides = array<i32>} : memref<79x128xf32, #tpu.memory_space<vmem>>, vector<16xf32>,
      %swap3A_84 = arith.index_cast %select_n3A : i32 to index
      %swap3A_85 = arith.index_cast %mul3A_81 : i32 to index
      %swap3A_86 = tpu.vector_load %arg9[%swap3A_84, %swap3A_85] {strides = array<i32>} : memref<79x128xi32, #tpu.memory_space<vmem>>, vector<16xi32>,
      tpu.vector_store %arg9[%swap3A_84, %swap3A_85], %broadcast_in_dim3A_9 {strides = array<i32>} : memref<79x128xi32, #tpu.memory_space<vmem>>, vector<16xi32>,
      %scan3A_87 = arith.constant 0 : i32
      scf.yield %scan3A_87 : i32
    }
    %scan3A_22 = arith.constant 632 : i32
    %scan3A_23 = arith.constant 0 : i32
    %scan3A_24 = arith.constant 0 : i32
    %scan3A_25 = arith.constant 625 : i32
    %scan3A_26 = arith.addi %scan3A_24, %scan3A_25 : i32
    %scan3A_27 = arith.constant 1 : i32
    %scan3A_28 = scf.for %scan3A_48 = %scan3A_24 to %scan3A_26 step %scan3A_27 iter_args(%scan3A_49 = %scan3A_23) -> (i32)  : i32 {
      %mul3A_50 = arith.constant 16 : i32
      %mul3A_51 = arith.muli %scan3A_48, %mul3A_50 : i32
      %get3A = arith.index_cast %mul3A_51 : i32 to index
      %get3A_52 = tpu.vector_load %arg7[%get3A] {strides = array<i32>} : memref<10000xi32, #tpu.memory_space<vmem>>, vector<16xi32>,
      %mul3A_53 = arith.constant 16 : i32
      %mul3A_54 = arith.muli %scan3A_48, %mul3A_53 : i32
      %get3A_55 = arith.index_cast %mul3A_54 : i32 to index
      %get3A_56 = tpu.vector_load %arg8[%get3A_55] {strides = array<i32>} : memref<10000xi32, #tpu.memory_space<vmem>>, vector<16xi32>,
      %gather3A = tpu.vector_load_idx %arg6[%get3A_52] : memref<10000xi32, #tpu.memory_space<vmem>>[vector<16xi32>], vector<16xi32>,
      %mul3A_57 = arith.constant 16 : i32
      %mul3A_58 = vector.broadcast %mul3A_57 : i32 to vector<16xi32>
      %mul3A_59 = arith.muli %get3A_56, %mul3A_58 : vector<16xi32>
      %add3A_60 = arith.addi %mul3A_59, %gather3A : vector<16xi32>
      %jit3A = arith.constant 8 : i32
      %div3A = arith.divsi %scan3A_48, %jit3A : i32
      %sign3A = arith.constant 0 : i32
      %sign3A_61 = arith.cmpi sgt, %scan3A_48, %sign3A : i32
      %sign3A_62 = arith.extui %sign3A_61 : i1 to i32
      %sign3A_63 = arith.constant 0 : i32
      %sign3A_64 = arith.cmpi slt, %scan3A_48, %sign3A_63 : i32
      %sign3A_65 = arith.extui %sign3A_64 : i1 to i32
      %sign3A_66 = arith.subi %sign3A_62, %sign3A_65 : i32
      %sign3A_67 = arith.constant 0 : i32
      %sign3A_68 = arith.cmpi sgt, %jit3A, %sign3A_67 : i32
      %sign3A_69 = arith.extui %sign3A_68 : i1 to i32
      %sign3A_70 = arith.constant 0 : i32
      %sign3A_71 = arith.cmpi slt, %jit3A, %sign3A_70 : i32
      %sign3A_72 = arith.extui %sign3A_71 : i1 to i32
      %sign3A_73 = arith.subi %sign3A_69, %sign3A_72 : i32
      %ne3A = arith.cmpi ne, %sign3A_66, %sign3A_73 : i32
      %rem3A = arith.remsi %scan3A_48, %jit3A : i32
      %ne3A_74 = arith.constant 0 : i32
      %ne3A_75 = arith.cmpi ne, %rem3A, %ne3A_74 : i32
      %and3A = arith.andi %ne3A, %ne3A_75 : i1
      %sub3A = arith.constant 1 : i32
      %sub3A_76 = arith.subi %div3A, %sub3A : i32
      %select_n3A = arith.select %and3A, %sub3A_76, %div3A : i32
      %jit3A_77 = arith.constant 8 : i32
      %eq3A = arith.constant 0 : i32
      %eq3A_78 = arith.cmpi eq, %jit3A_77, %eq3A : i32
      %jit3A_79 = arith.constant 1 : i32
      %select_n3A_80 = arith.select %eq3A_78, %jit3A_79, %jit3A_77 : i32
      %rem3A_81 = arith.remsi %scan3A_48, %select_n3A_80 : i32
      %ne3A_82 = arith.constant 0 : i32
      %ne3A_83 = arith.cmpi ne, %rem3A_81, %ne3A_82 : i32
      %lt3A = arith.constant 0 : i32
      %lt3A_84 = arith.cmpi slt, %rem3A_81, %lt3A : i32
      %lt3A_85 = arith.constant 0 : i32
      %lt3A_86 = arith.cmpi slt, %select_n3A_80, %lt3A_85 : i32
      %ne3A_87 = arith.xori %lt3A_84, %lt3A_86 : i1
      %and3A_88 = arith.andi %ne3A_87, %ne3A_83 : i1
      %add3A_89 = arith.addi %rem3A_81, %select_n3A_80 : i32
      %select_n3A_90 = arith.select %and3A_88, %add3A_89, %rem3A_81 : i32
      %mul3A_91 = arith.constant 16 : i32
      %mul3A_92 = arith.muli %select_n3A_90, %mul3A_91 : i32
      %swap3A = arith.index_cast %select_n3A : i32 to index
      %swap3A_93 = arith.index_cast %mul3A_92 : i32 to index
      %swap3A_94 = tpu.vector_load %arg9[%swap3A, %swap3A_93] {strides = array<i32>} : memref<79x128xi32, #tpu.memory_space<vmem>>, vector<16xi32>,
      tpu.vector_store %arg9[%swap3A, %swap3A_93], %add3A_60 {strides = array<i32>} : memref<79x128xi32, #tpu.memory_space<vmem>>, vector<16xi32>,
      %scan3A_95 = arith.constant 0 : i32
      scf.yield %scan3A_95 : i32
    }
    %scan3A_29 = arith.constant 625 : i32
    %barrier3A = arith.constant 0 : index
    tpu.barrier barrier_id(%barrier3A)
    %scan3A_30 = arith.constant 0 : i32
    %scan3A_31 = arith.constant 0 : i32
    %scan3A_32 = arith.constant 79 : i32
    %scan3A_33 = arith.addi %scan3A_31, %scan3A_32 : i32
    %scan3A_34 = arith.constant 1 : i32
    %scan3A_35 = scf.for %scan3A_48 = %scan3A_31 to %scan3A_33 step %scan3A_34 iter_args(%scan3A_49 = %scan3A_30) -> (i32)  : i32 {
      %dma_start3A = arith.constant 0 : i32
      %dma_start3A_50 = tpu.memref_slice %arg10[%scan3A_48, %dma_start3A] : memref<79x128xf32, #tpu.memory_space<vmem>> -> memref<1x128xf32, #tpu.memory_space<vmem>>
      %dma_start3A_51 = tpu.memref_squeeze %dma_start3A_50 : memref<1x128xf32, #tpu.memory_space<vmem>> -> memref<128xf32, #tpu.memory_space<vmem>>
      %dma_start3A_52 = arith.constant 0 : i32
      %dma_start3A_53 = tpu.memref_slice %arg9[%scan3A_48, %dma_start3A_52] : memref<79x128xi32, #tpu.memory_space<vmem>> -> memref<1x128xi32, #tpu.memory_space<vmem>>
      %dma_start3A_54 = tpu.memref_squeeze %dma_start3A_53 : memref<1x128xi32, #tpu.memory_space<vmem>> -> memref<128xi32, #tpu.memory_space<vmem>>
      %dma_start3A_55 = arith.constant 0 : i32
      %dma_start3A_56 = tpu.memref_slice %arg12[%dma_start3A_55] : memref<160008xf32, #tpu.memory_space<vmem_shared>> -> memref<160008xf32, #tpu.memory_space<vmem_shared>>
      tpu.enqueue_indirect_dma source(%dma_start3A_51 : memref<128xf32, #tpu.memory_space<vmem>>) target(%dma_start3A_56 : memref<160008xf32, #tpu.memory_space<vmem_shared>>) offsets(%dma_start3A_54 : memref<128xi32, #tpu.memory_space<vmem>>) semaphore(%arg13 : memref<!tpu.dma_semaphore, #tpu.memory_space<semaphore_mem>>) {add = true}
      %scan3A_57 = arith.constant 0 : i32
      scf.yield %scan3A_57 : i32
    }
    %scan3A_36 = arith.constant 79 : i32
    %scan3A_37 = arith.constant 0 : i32
    %scan3A_38 = arith.constant 0 : i32
    %scan3A_39 = arith.constant 79 : i32
    %scan3A_40 = arith.addi %scan3A_38, %scan3A_39 : i32
    %scan3A_41 = arith.constant 1 : i32
    %scan3A_42 = scf.for %scan3A_48 = %scan3A_38 to %scan3A_40 step %scan3A_41 iter_args(%scan3A_49 = %scan3A_37) -> (i32)  : i32 {
      %dma_wait3A = arith.constant 0 : i32
      %dma_wait3A_50 = arith.constant 0 : i32
      %dma_wait3A_51 = arith.constant 0 : i32
      %dma_wait3A_52 = tpu.memref_slice %arg10[%dma_wait3A, %dma_wait3A_51] : memref<79x128xf32, #tpu.memory_space<vmem>> -> memref<1x128xf32, #tpu.memory_space<vmem>>
      %dma_wait3A_53 = tpu.memref_squeeze %dma_wait3A_52 : memref<1x128xf32, #tpu.memory_space<vmem>> -> memref<128xf32, #tpu.memory_space<vmem>>
      %dma_wait3A_54 = arith.constant 0 : i32
      %dma_wait3A_55 = tpu.memref_slice %arg9[%dma_wait3A_50, %dma_wait3A_54] : memref<79x128xi32, #tpu.memory_space<vmem>> -> memref<1x128xi32, #tpu.memory_space<vmem>>
      %dma_wait3A_56 = tpu.memref_squeeze %dma_wait3A_55 : memref<1x128xi32, #tpu.memory_space<vmem>> -> memref<128xi32, #tpu.memory_space<vmem>>
      %dma_wait3A_57 = arith.constant 0 : i32
      %dma_wait3A_58 = tpu.memref_slice %arg12[%dma_wait3A_57] : memref<160008xf32, #tpu.memory_space<vmem_shared>> -> memref<160008xf32, #tpu.memory_space<vmem_shared>>
      tpu.wait_indirect_dma semaphore(%arg13 : memref<!tpu.dma_semaphore, #tpu.memory_space<semaphore_mem>>) src(%dma_wait3A_53 : memref<128xf32, #tpu.memory_space<vmem>>) dst(%dma_wait3A_58 : memref<160008xf32, #tpu.memory_space<vmem_shared>>)
      %scan3A_59 = arith.constant 0 : i32
      scf.yield %scan3A_59 : i32
    }
    %scan3A_43 = arith.constant 79 : i32
    %barrier3A_44 = arith.constant 0 : index
    tpu.barrier barrier_id(%barrier3A_44)
    "tpu.region"() ({
      %run_scoped3A = tpu.sem_alloc : memref<!tpu.dma_semaphore, #tpu.memory_space<semaphore_mem>>
      %dma_start3A = tpu.memref_slice %arg12[%mul3A_4] : memref<160008xf32, #tpu.memory_space<vmem_shared>> -> memref<10000xf32, #tpu.memory_space<vmem_shared>>
      %dma_start3A_48 = tpu.memref_slice %arg12[%mul3A_4] : memref<160008xf32, #tpu.memory_space<vmem_shared>> -> memref<10000xf32, #tpu.memory_space<vmem_shared>>
      tpu.enqueue_dma source(%dma_start3A_48 : memref<10000xf32, #tpu.memory_space<vmem_shared>>) target(%arg11 : memref<10000xf32, #tpu.memory_space<vmem>>) target_semaphore(%run_scoped3A : memref<!tpu.dma_semaphore, #tpu.memory_space<semaphore_mem>>)
      %dma_wait3A = tpu.memref_slice %arg12[%mul3A_4] : memref<160008xf32, #tpu.memory_space<vmem_shared>> -> memref<10000xf32, #tpu.memory_space<vmem_shared>>
      %dma_wait3A_49 = tpu.memref_slice %arg12[%mul3A_4] : memref<160008xf32, #tpu.memory_space<vmem_shared>> -> memref<10000xf32, #tpu.memory_space<vmem_shared>>
      tpu.wait_dma2 semaphore(%run_scoped3A : memref<!tpu.dma_semaphore, #tpu.memory_space<semaphore_mem>>) src(%dma_wait3A_49 : memref<10000xf32, #tpu.memory_space<vmem_shared>>) dst(%arg11 : memref<10000xf32, #tpu.memory_space<vmem>>)
      tpu.yield
    }) : () -> ()
    %mul3A_45 = arith.constant 160000 : i32
    %mul3A_46 = arith.muli %arg0, %mul3A_45 : i32
    %add3A_47 = arith.addi %mul3A_46, %mul3A_4 : i32
    "tpu.region"() ({
      %run_scoped3A = tpu.sem_alloc : memref<!tpu.dma_semaphore, #tpu.memory_space<semaphore_mem>>
      %dma_start3A = tpu.memref_slice %arg5[%add3A_47] : memref<320000xf32, #tpu.memory_space<hbm>> -> memref<10000xf32, #tpu.memory_space<hbm>>
      %dma_start3A_48 = tpu.memref_slice %arg5[%add3A_47] : memref<320000xf32, #tpu.memory_space<hbm>> -> memref<10000xf32, #tpu.memory_space<hbm>>
      tpu.enqueue_dma source(%arg11 : memref<10000xf32, #tpu.memory_space<vmem>>) target(%dma_start3A_48 : memref<10000xf32, #tpu.memory_space<hbm>>) target_semaphore(%run_scoped3A : memref<!tpu.dma_semaphore, #tpu.memory_space<semaphore_mem>>)
      %dma_wait3A = tpu.memref_slice %arg5[%add3A_47] : memref<320000xf32, #tpu.memory_space<hbm>> -> memref<10000xf32, #tpu.memory_space<hbm>>
      %dma_wait3A_49 = tpu.memref_slice %arg5[%add3A_47] : memref<320000xf32, #tpu.memory_space<hbm>> -> memref<10000xf32, #tpu.memory_space<hbm>>
      tpu.wait_dma2 semaphore(%run_scoped3A : memref<!tpu.dma_semaphore, #tpu.memory_space<semaphore_mem>>) src(%arg11 : memref<10000xf32, #tpu.memory_space<vmem>>) dst(%dma_wait3A_49 : memref<10000xf32, #tpu.memory_space<hbm>>)
      tpu.yield
    }) : () -> ()
    return
  }
}

module attributes {stable_mosaic.version = 14 : i64} {
  func.func @_main_body(%arg0: i32, %arg1: memref<2x1x1250x16xf32, #tpu.memory_space<vmem>>, %arg2: memref<1x1250x1xi32, #tpu.memory_space<vmem>>, %arg3: memref<16x128xf32, #tpu.memory_space<vmem>>, %arg4: memref<128x128xf32, #tpu.memory_space<vmem>>, %arg5: memref<1x128xf32, #tpu.memory_space<vmem>>, %arg6: memref<1x128xf32, #tpu.memory_space<vmem>>, %arg7: memref<1x128xf32, #tpu.memory_space<vmem>>, %arg8: memref<128x128xf32, #tpu.memory_space<vmem>>, %arg9: memref<1x128xf32, #tpu.memory_space<vmem>>, %arg10: memref<1x128xf32, #tpu.memory_space<vmem>>, %arg11: memref<1x128xf32, #tpu.memory_space<vmem>>, %arg12: memref<128x128xf32, #tpu.memory_space<vmem>>, %arg13: memref<1x128xf32, #tpu.memory_space<vmem>>, %arg14: memref<128x128xf32, #tpu.memory_space<vmem>>, %arg15: memref<1x128xf32, #tpu.memory_space<vmem>>, %arg16: memref<128x128xf32, #tpu.memory_space<vmem>>, %arg17: memref<1x128xf32, #tpu.memory_space<vmem>>, %arg18: memref<1x128xf32, #tpu.memory_space<vmem>>, %arg19: memref<1x128xf32, #tpu.memory_space<vmem>>, %arg20: memref<4x128x128xf32, #tpu.memory_space<vmem>>, %arg21: memref<4x128xf32, #tpu.memory_space<vmem>>, %arg22: memref<4x128xf32, #tpu.memory_space<vmem>>, %arg23: memref<4x128xf32, #tpu.memory_space<vmem>>, %arg24: memref<4x128x128xf32, #tpu.memory_space<vmem>>, %arg25: memref<4x128xf32, #tpu.memory_space<vmem>>, %arg26: memref<4x128xf32, #tpu.memory_space<vmem>>, %arg27: memref<4x128xf32, #tpu.memory_space<vmem>>, %arg28: memref<4x128x16xf32, #tpu.memory_space<vmem>>, %arg29: memref<4x16xf32, #tpu.memory_space<vmem>>, %arg30: memref<1x1250x1408xf32, #tpu.memory_space<vmem>>, %arg31: memref<1x1x3xf32, #tpu.memory_space<vmem>>, %arg32: memref<1x1x16xf32, #tpu.memory_space<vmem>>, %arg33: memref<1x1x4xf32, #tpu.memory_space<vmem>>) attributes {dimension_semantics = [#tpu.dimension_semantics<arbitrary>], iteration_bounds = array<i64: 8>, scalar_prefetch = 0 : i64, scratch_operands = 0 : i64, tpu.core_type = #tpu.core_type<tc>, window_params = [{transform_indices = @transform_0, window_bounds = array<i64: 2, 1, 1250, 16>}, {transform_indices = @transform_1, window_bounds = array<i64: 1, 1250, 1>}, {pipeline_mode = #tpu.pipeline_mode<synchronous>, transform_indices = @transform_2, window_bounds = array<i64: 16, 128>}, {pipeline_mode = #tpu.pipeline_mode<synchronous>, transform_indices = @transform_3, window_bounds = array<i64: 128, 128>}, {pipeline_mode = #tpu.pipeline_mode<synchronous>, transform_indices = @transform_4, window_bounds = array<i64: 1, 128>}, {pipeline_mode = #tpu.pipeline_mode<synchronous>, transform_indices = @transform_5, window_bounds = array<i64: 1, 128>}, {pipeline_mode = #tpu.pipeline_mode<synchronous>, transform_indices = @transform_6, window_bounds = array<i64: 1, 128>}, {pipeline_mode = #tpu.pipeline_mode<synchronous>, transform_indices = @transform_7, window_bounds = array<i64: 128, 128>}, {pipeline_mode = #tpu.pipeline_mode<synchronous>, transform_indices = @transform_8, window_bounds = array<i64: 1, 128>}, {pipeline_mode = #tpu.pipeline_mode<synchronous>, transform_indices = @transform_9, window_bounds = array<i64: 1, 128>}, {pipeline_mode = #tpu.pipeline_mode<synchronous>, transform_indices = @transform_10, window_bounds = array<i64: 1, 128>}, {pipeline_mode = #tpu.pipeline_mode<synchronous>, transform_indices = @transform_11, window_bounds = array<i64: 128, 128>}, {pipeline_mode = #tpu.pipeline_mode<synchronous>, transform_indices = @transform_12, window_bounds = array<i64: 1, 128>}, {pipeline_mode = #tpu.pipeline_mode<synchronous>, transform_indices = @transform_13, window_bounds = array<i64: 128, 128>}, {pipeline_mode = #tpu.pipeline_mode<synchronous>, transform_indices = @transform_14, window_bounds = array<i64: 1, 128>}, {pipeline_mode = #tpu.pipeline_mode<synchronous>, transform_indices = @transform_15, window_bounds = array<i64: 128, 128>}, {pipeline_mode = #tpu.pipeline_mode<synchronous>, transform_indices = @transform_16, window_bounds = array<i64: 1, 128>}, {pipeline_mode = #tpu.pipeline_mode<synchronous>, transform_indices = @transform_17, window_bounds = array<i64: 1, 128>}, {pipeline_mode = #tpu.pipeline_mode<synchronous>, transform_indices = @transform_18, window_bounds = array<i64: 1, 128>}, {pipeline_mode = #tpu.pipeline_mode<synchronous>, transform_indices = @transform_19, window_bounds = array<i64: 4, 128, 128>}, {pipeline_mode = #tpu.pipeline_mode<synchronous>, transform_indices = @transform_20, window_bounds = array<i64: 4, 128>}, {pipeline_mode = #tpu.pipeline_mode<synchronous>, transform_indices = @transform_21, window_bounds = array<i64: 4, 128>}, {pipeline_mode = #tpu.pipeline_mode<synchronous>, transform_indices = @transform_22, window_bounds = array<i64: 4, 128>}, {pipeline_mode = #tpu.pipeline_mode<synchronous>, transform_indices = @transform_23, window_bounds = array<i64: 4, 128, 128>}, {pipeline_mode = #tpu.pipeline_mode<synchronous>, transform_indices = @transform_24, window_bounds = array<i64: 4, 128>}, {pipeline_mode = #tpu.pipeline_mode<synchronous>, transform_indices = @transform_25, window_bounds = array<i64: 4, 128>}, {pipeline_mode = #tpu.pipeline_mode<synchronous>, transform_indices = @transform_26, window_bounds = array<i64: 4, 128>}, {pipeline_mode = #tpu.pipeline_mode<synchronous>, transform_indices = @transform_27, window_bounds = array<i64: 4, 128, 16>}, {pipeline_mode = #tpu.pipeline_mode<synchronous>, transform_indices = @transform_28, window_bounds = array<i64: 4, 16>}, {transform_indices = @transform_29, window_bounds = array<i64: 1, 1250, 1408>}, {transform_indices = @transform_30, window_bounds = array<i64: 1, 1, 3>}, {transform_indices = @transform_31, window_bounds = array<i64: 1, 1, 16>}, {transform_indices = @transform_32, window_bounds = array<i64: 1, 1, 4>}]} {
    %get3A = arith.constant 0 : index
    %get3A_0 = arith.constant 0 : index
    %get3A_1 = arith.constant 0 : index
    %get3A_2 = arith.constant 0 : index
    %get3A_3 = vector.load %arg1[%get3A, %get3A_0, %get3A_1, %get3A_2] : memref<2x1x1250x16xf32, #tpu.memory_space<vmem>>, vector<1x1x1250x16xf32>
    %get3A_4 = vector.shape_cast %get3A_3 : vector<1x1x1250x16xf32> to vector<1250x16xf32>
    %get3A_5 = arith.constant 1 : index
    %get3A_6 = arith.constant 0 : index
    %get3A_7 = arith.constant 0 : index
    %get3A_8 = arith.constant 0 : index
    %get3A_9 = vector.load %arg1[%get3A_5, %get3A_6, %get3A_7, %get3A_8] : memref<2x1x1250x16xf32, #tpu.memory_space<vmem>>, vector<1x1x1250x16xf32>
    %get3A_10 = vector.shape_cast %get3A_9 : vector<1x1x1250x16xf32> to vector<1250x16xf32>
    %add3A = arith.addf %get3A_4, %get3A_10 : vector<1250x16xf32>
    %get3A_11 = arith.constant 0 : index
    %get3A_12 = arith.constant 0 : index
    %get3A_13 = arith.constant 0 : index
    %get3A_14 = vector.load %arg2[%get3A_11, %get3A_12, %get3A_13] : memref<1x1250x1xi32, #tpu.memory_space<vmem>>, vector<1x1250x1xi32>
    %get3A_15 = vector.shape_cast %get3A_14 : vector<1x1250x1xi32> to vector<1250x1xi32>
    %iota3A = tpu.iota {dimensions = array<i32: 1>} : vector<1250x16xi32>
    %eq3A = vector.broadcast %get3A_15 : vector<1250x1xi32> to vector<1250x16xi32>
    %eq3A_16 = arith.cmpi eq, %eq3A, %iota3A : vector<1250x16xi32>
    %convert_element_type3A = arith.extui %eq3A_16 : vector<1250x16xi1> to vector<1250x16xi32>
    %convert_element_type3A_17 = arith.sitofp %convert_element_type3A : vector<1250x16xi32> to vector<1250x16xf32>
    %add3A_18 = arith.addf %add3A, %convert_element_type3A_17 : vector<1250x16xf32>
    %get3A_19 = arith.constant 0 : index
    %get3A_20 = arith.constant 0 : index
    %get3A_21 = vector.load %arg3[%get3A_19, %get3A_20] : memref<16x128xf32, #tpu.memory_space<vmem>>, vector<16x128xf32>
    %dot_general3A = arith.constant dense<0.000000e+00> : vector<1250x128xf32>
    %dot_general3A_22 = tpu.matmul %add3A_18, %get3A_21, %dot_general3A {dimension_numbers = #tpu.dot_dimension_numbers<[1], [0], [0], [1], [0, 0, 1, 1], [], []>, precision = #tpu.contract_precision<fp32>, transpose_lhs_hint = false} : vector<1250x16xf32>, vector<16x128xf32>, vector<1250x128xf32> -> vector<1250x128xf32>
    %get3A_23 = arith.constant 0 : index
    %get3A_24 = arith.constant 0 : index
    %get3A_25 = vector.load %arg4[%get3A_23, %get3A_24] : memref<128x128xf32, #tpu.memory_space<vmem>>, vector<128x128xf32>
    %convert_element_type3A_26 = arith.truncf %dot_general3A_22 : vector<1250x128xf32> to vector<1250x128xbf16>
    %convert_element_type3A_27 = arith.truncf %get3A_25 : vector<128x128xf32> to vector<128x128xbf16>
    %dot_general3A_28 = arith.constant dense<0.000000e+00> : vector<1250x128xf32>
    %dot_general3A_29 = tpu.matmul %convert_element_type3A_26, %convert_element_type3A_27, %dot_general3A_28 {dimension_numbers = #tpu.dot_dimension_numbers<[1], [0], [0], [1], [0, 0, 1, 1], [], []>, transpose_lhs_hint = false} : vector<1250x128xbf16>, vector<128x128xbf16>, vector<1250x128xf32> -> vector<1250x128xf32>
    %get3A_30 = arith.constant 0 : index
    %get3A_31 = arith.constant 0 : index
    %get3A_32 = vector.load %arg5[%get3A_30, %get3A_31] : memref<1x128xf32, #tpu.memory_space<vmem>>, vector<1x128xf32>
    %add3A_33 = vector.broadcast %get3A_32 : vector<1x128xf32> to vector<1250x128xf32>
    %add3A_34 = arith.addf %dot_general3A_29, %add3A_33 : vector<1250x128xf32>
    %get3A_35 = arith.constant 0 : index
    %get3A_36 = arith.constant 0 : index
    %get3A_37 = vector.load %arg6[%get3A_35, %get3A_36] : memref<1x128xf32, #tpu.memory_space<vmem>>, vector<1x128xf32>
    %get3A_38 = arith.constant 0 : index
    %get3A_39 = arith.constant 0 : index
    %get3A_40 = vector.load %arg7[%get3A_38, %get3A_39] : memref<1x128xf32, #tpu.memory_space<vmem>>, vector<1x128xf32>
    %reduce_sum3A = arith.constant dense<0.000000e+00> : vector<1250xf32>
    %reduce_sum3A_41 = vector.multi_reduction <add>, %add3A_34, %reduce_sum3A [1] : vector<1250x128xf32> to vector<1250xf32>
    %broadcast_in_dim3A = vector.shape_cast %reduce_sum3A_41 : vector<1250xf32> to vector<1250x1xf32>
    %div3A = arith.constant 1.280000e+02 : f32
    %div3A_42 = vector.broadcast %div3A : f32 to vector<1250x1xf32>
    %div3A_43 = arith.divf %broadcast_in_dim3A, %div3A_42 : vector<1250x1xf32>
    %jit3A = arith.constant 0 : i32
    %reduce_sum3A_44 = arith.constant dense<0.000000e+00> : vector<1250xf32>
    %reduce_sum3A_45 = vector.multi_reduction <add>, %add3A_34, %reduce_sum3A_44 [1] : vector<1250x128xf32> to vector<1250xf32>
    %broadcast_in_dim3A_46 = vector.shape_cast %reduce_sum3A_45 : vector<1250xf32> to vector<1250x1xf32>
    %div3A_47 = arith.constant 1.280000e+02 : f32
    %div3A_48 = vector.broadcast %div3A_47 : f32 to vector<1250x1xf32>
    %div3A_49 = arith.divf %broadcast_in_dim3A_46, %div3A_48 : vector<1250x1xf32>
    %sub3A = vector.broadcast %div3A_49 : vector<1250x1xf32> to vector<1250x128xf32>
    %sub3A_50 = arith.subf %add3A_34, %sub3A : vector<1250x128xf32>
    %square3A = arith.mulf %sub3A_50, %sub3A_50 : vector<1250x128xf32>
    %convert_element_type3A_51 = arith.sitofp %jit3A : i32 to f32
    %sub3A_52 = arith.constant 1.280000e+02 : f32
    %sub3A_53 = arith.subf %sub3A_52, %convert_element_type3A_51 : f32
    %reduce_sum3A_54 = arith.constant dense<0.000000e+00> : vector<1250xf32>
    %reduce_sum3A_55 = vector.multi_reduction <add>, %square3A, %reduce_sum3A_54 [1] : vector<1250x128xf32> to vector<1250xf32>
    %broadcast_in_dim3A_56 = vector.shape_cast %reduce_sum3A_55 : vector<1250xf32> to vector<1250x1xf32>
    %div3A_57 = vector.broadcast %sub3A_53 : f32 to vector<1250x1xf32>
    %div3A_58 = arith.divf %broadcast_in_dim3A_56, %div3A_57 : vector<1250x1xf32>
    %gt3A = arith.constant 0.000000e+00 : f32
    %gt3A_59 = arith.cmpf ogt, %sub3A_53, %gt3A : f32
    %jit3A_60 = arith.constant 0x7FC00000 : f32
    %broadcast_in_dim3A_61 = vector.broadcast %jit3A_60 : f32 to vector<1250x1xf32>
    %select_n3A = arith.select %gt3A_59, %div3A_58, %broadcast_in_dim3A_61 : vector<1250x1xf32>
    %sub3A_62 = vector.broadcast %div3A_43 : vector<1250x1xf32> to vector<1250x128xf32>
    %sub3A_63 = arith.subf %add3A_34, %sub3A_62 : vector<1250x128xf32>
    %add3A_64 = arith.constant 9.99999974E-6 : f32
    %add3A_65 = vector.broadcast %add3A_64 : f32 to vector<1250x1xf32>
    %add3A_66 = arith.addf %select_n3A, %add3A_65 : vector<1250x1xf32>
    %sqrt3A = math.sqrt %add3A_66 : vector<1250x1xf32>
    %div3A_67 = vector.broadcast %sqrt3A : vector<1250x1xf32> to vector<1250x128xf32>
    %div3A_68 = arith.divf %sub3A_63, %div3A_67 : vector<1250x128xf32>
    %mul3A = vector.broadcast %get3A_37 : vector<1x128xf32> to vector<1250x128xf32>
    %mul3A_69 = arith.mulf %div3A_68, %mul3A : vector<1250x128xf32>
    %add3A_70 = vector.broadcast %get3A_40 : vector<1x128xf32> to vector<1250x128xf32>
    %add3A_71 = arith.addf %mul3A_69, %add3A_70 : vector<1250x128xf32>
    %max3A = arith.constant 0.000000e+00 : f32
    %max3A_72 = vector.broadcast %max3A : f32 to vector<1250x128xf32>
    %max3A_73 = arith.maximumf %add3A_71, %max3A_72 : vector<1250x128xf32>
    %get3A_74 = arith.constant 0 : index
    %get3A_75 = arith.constant 0 : index
    %get3A_76 = vector.load %arg8[%get3A_74, %get3A_75] : memref<128x128xf32, #tpu.memory_space<vmem>>, vector<128x128xf32>
    %convert_element_type3A_77 = arith.truncf %max3A_73 : vector<1250x128xf32> to vector<1250x128xbf16>
    %convert_element_type3A_78 = arith.truncf %get3A_76 : vector<128x128xf32> to vector<128x128xbf16>
    %dot_general3A_79 = arith.constant dense<0.000000e+00> : vector<1250x128xf32>
    %dot_general3A_80 = tpu.matmul %convert_element_type3A_77, %convert_element_type3A_78, %dot_general3A_79 {dimension_numbers = #tpu.dot_dimension_numbers<[1], [0], [0], [1], [0, 0, 1, 1], [], []>, transpose_lhs_hint = false} : vector<1250x128xbf16>, vector<128x128xbf16>, vector<1250x128xf32> -> vector<1250x128xf32>
    %get3A_81 = arith.constant 0 : index
    %get3A_82 = arith.constant 0 : index
    %get3A_83 = vector.load %arg9[%get3A_81, %get3A_82] : memref<1x128xf32, #tpu.memory_space<vmem>>, vector<1x128xf32>
    %add3A_84 = vector.broadcast %get3A_83 : vector<1x128xf32> to vector<1250x128xf32>
    %add3A_85 = arith.addf %dot_general3A_80, %add3A_84 : vector<1250x128xf32>
    %get3A_86 = arith.constant 0 : index
    %get3A_87 = arith.constant 0 : index
    %get3A_88 = vector.load %arg10[%get3A_86, %get3A_87] : memref<1x128xf32, #tpu.memory_space<vmem>>, vector<1x128xf32>
    %get3A_89 = arith.constant 0 : index
    %get3A_90 = arith.constant 0 : index
    %get3A_91 = vector.load %arg11[%get3A_89, %get3A_90] : memref<1x128xf32, #tpu.memory_space<vmem>>, vector<1x128xf32>
    %reduce_sum3A_92 = arith.constant dense<0.000000e+00> : vector<1250xf32>
    %reduce_sum3A_93 = vector.multi_reduction <add>, %add3A_85, %reduce_sum3A_92 [1] : vector<1250x128xf32> to vector<1250xf32>
    %broadcast_in_dim3A_94 = vector.shape_cast %reduce_sum3A_93 : vector<1250xf32> to vector<1250x1xf32>
    %div3A_95 = arith.constant 1.280000e+02 : f32
    %div3A_96 = vector.broadcast %div3A_95 : f32 to vector<1250x1xf32>
    %div3A_97 = arith.divf %broadcast_in_dim3A_94, %div3A_96 : vector<1250x1xf32>
    %jit3A_98 = arith.constant 0 : i32
    %reduce_sum3A_99 = arith.constant dense<0.000000e+00> : vector<1250xf32>
    %reduce_sum3A_100 = vector.multi_reduction <add>, %add3A_85, %reduce_sum3A_99 [1] : vector<1250x128xf32> to vector<1250xf32>
    %broadcast_in_dim3A_101 = vector.shape_cast %reduce_sum3A_100 : vector<1250xf32> to vector<1250x1xf32>
    %div3A_102 = arith.constant 1.280000e+02 : f32
    %div3A_103 = vector.broadcast %div3A_102 : f32 to vector<1250x1xf32>
    %div3A_104 = arith.divf %broadcast_in_dim3A_101, %div3A_103 : vector<1250x1xf32>
    %sub3A_105 = vector.broadcast %div3A_104 : vector<1250x1xf32> to vector<1250x128xf32>
    %sub3A_106 = arith.subf %add3A_85, %sub3A_105 : vector<1250x128xf32>
    %square3A_107 = arith.mulf %sub3A_106, %sub3A_106 : vector<1250x128xf32>
    %convert_element_type3A_108 = arith.sitofp %jit3A_98 : i32 to f32
    %sub3A_109 = arith.constant 1.280000e+02 : f32
    %sub3A_110 = arith.subf %sub3A_109, %convert_element_type3A_108 : f32
    %reduce_sum3A_111 = arith.constant dense<0.000000e+00> : vector<1250xf32>
    %reduce_sum3A_112 = vector.multi_reduction <add>, %square3A_107, %reduce_sum3A_111 [1] : vector<1250x128xf32> to vector<1250xf32>
    %broadcast_in_dim3A_113 = vector.shape_cast %reduce_sum3A_112 : vector<1250xf32> to vector<1250x1xf32>
    %div3A_114 = vector.broadcast %sub3A_110 : f32 to vector<1250x1xf32>
    %div3A_115 = arith.divf %broadcast_in_dim3A_113, %div3A_114 : vector<1250x1xf32>
    %gt3A_116 = arith.constant 0.000000e+00 : f32
    %gt3A_117 = arith.cmpf ogt, %sub3A_110, %gt3A_116 : f32
    %jit3A_118 = arith.constant 0x7FC00000 : f32
    %broadcast_in_dim3A_119 = vector.broadcast %jit3A_118 : f32 to vector<1250x1xf32>
    %select_n3A_120 = arith.select %gt3A_117, %div3A_115, %broadcast_in_dim3A_119 : vector<1250x1xf32>
    %sub3A_121 = vector.broadcast %div3A_97 : vector<1250x1xf32> to vector<1250x128xf32>
    %sub3A_122 = arith.subf %add3A_85, %sub3A_121 : vector<1250x128xf32>
    %add3A_123 = arith.constant 9.99999974E-6 : f32
    %add3A_124 = vector.broadcast %add3A_123 : f32 to vector<1250x1xf32>
    %add3A_125 = arith.addf %select_n3A_120, %add3A_124 : vector<1250x1xf32>
    %sqrt3A_126 = math.sqrt %add3A_125 : vector<1250x1xf32>
    %div3A_127 = vector.broadcast %sqrt3A_126 : vector<1250x1xf32> to vector<1250x128xf32>
    %div3A_128 = arith.divf %sub3A_122, %div3A_127 : vector<1250x128xf32>
    %mul3A_129 = vector.broadcast %get3A_88 : vector<1x128xf32> to vector<1250x128xf32>
    %mul3A_130 = arith.mulf %div3A_128, %mul3A_129 : vector<1250x128xf32>
    %add3A_131 = vector.broadcast %get3A_91 : vector<1x128xf32> to vector<1250x128xf32>
    %add3A_132 = arith.addf %mul3A_130, %add3A_131 : vector<1250x128xf32>
    %max3A_133 = arith.constant 0.000000e+00 : f32
    %max3A_134 = vector.broadcast %max3A_133 : f32 to vector<1250x128xf32>
    %max3A_135 = arith.maximumf %add3A_132, %max3A_134 : vector<1250x128xf32>
    %get3A_136 = arith.constant 0 : index
    %get3A_137 = arith.constant 0 : index
    %get3A_138 = vector.load %arg12[%get3A_136, %get3A_137] : memref<128x128xf32, #tpu.memory_space<vmem>>, vector<128x128xf32>
    %convert_element_type3A_139 = arith.truncf %max3A_135 : vector<1250x128xf32> to vector<1250x128xbf16>
    %convert_element_type3A_140 = arith.truncf %get3A_138 : vector<128x128xf32> to vector<128x128xbf16>
    %dot_general3A_141 = arith.constant dense<0.000000e+00> : vector<1250x128xf32>
    %dot_general3A_142 = tpu.matmul %convert_element_type3A_139, %convert_element_type3A_140, %dot_general3A_141 {dimension_numbers = #tpu.dot_dimension_numbers<[1], [0], [0], [1], [0, 0, 1, 1], [], []>, transpose_lhs_hint = false} : vector<1250x128xbf16>, vector<128x128xbf16>, vector<1250x128xf32> -> vector<1250x128xf32>
    %get3A_143 = arith.constant 0 : index
    %get3A_144 = arith.constant 0 : index
    %get3A_145 = vector.load %arg13[%get3A_143, %get3A_144] : memref<1x128xf32, #tpu.memory_space<vmem>>, vector<1x128xf32>
    %add3A_146 = vector.broadcast %get3A_145 : vector<1x128xf32> to vector<1250x128xf32>
    %add3A_147 = arith.addf %dot_general3A_142, %add3A_146 : vector<1250x128xf32>
    %get3A_148 = arith.constant 0 : index
    %get3A_149 = arith.constant 0 : index
    %get3A_150 = vector.load %arg14[%get3A_148, %get3A_149] : memref<128x128xf32, #tpu.memory_space<vmem>>, vector<128x128xf32>
    %convert_element_type3A_151 = arith.truncf %add3A_147 : vector<1250x128xf32> to vector<1250x128xbf16>
    %convert_element_type3A_152 = arith.truncf %get3A_150 : vector<128x128xf32> to vector<128x128xbf16>
    %dot_general3A_153 = arith.constant dense<0.000000e+00> : vector<1250x128xf32>
    %dot_general3A_154 = tpu.matmul %convert_element_type3A_151, %convert_element_type3A_152, %dot_general3A_153 {dimension_numbers = #tpu.dot_dimension_numbers<[1], [0], [0], [1], [0, 0, 1, 1], [], []>, transpose_lhs_hint = false} : vector<1250x128xbf16>, vector<128x128xbf16>, vector<1250x128xf32> -> vector<1250x128xf32>
    %get3A_155 = arith.constant 0 : index
    %get3A_156 = arith.constant 0 : index
    %get3A_157 = vector.load %arg15[%get3A_155, %get3A_156] : memref<1x128xf32, #tpu.memory_space<vmem>>, vector<1x128xf32>
    %add3A_158 = vector.broadcast %get3A_157 : vector<1x128xf32> to vector<1250x128xf32>
    %add3A_159 = arith.addf %dot_general3A_154, %add3A_158 : vector<1250x128xf32>
    %max3A_160 = arith.constant 0.000000e+00 : f32
    %max3A_161 = vector.broadcast %max3A_160 : f32 to vector<1250x128xf32>
    %max3A_162 = arith.maximumf %add3A_159, %max3A_161 : vector<1250x128xf32>
    %get3A_163 = arith.constant 0 : index
    %get3A_164 = arith.constant 0 : index
    %get3A_165 = vector.load %arg16[%get3A_163, %get3A_164] : memref<128x128xf32, #tpu.memory_space<vmem>>, vector<128x128xf32>
    %convert_element_type3A_166 = arith.truncf %max3A_162 : vector<1250x128xf32> to vector<1250x128xbf16>
    %convert_element_type3A_167 = arith.truncf %get3A_165 : vector<128x128xf32> to vector<128x128xbf16>
    %dot_general3A_168 = arith.constant dense<0.000000e+00> : vector<1250x128xf32>
    %dot_general3A_169 = tpu.matmul %convert_element_type3A_166, %convert_element_type3A_167, %dot_general3A_168 {dimension_numbers = #tpu.dot_dimension_numbers<[1], [0], [0], [1], [0, 0, 1, 1], [], []>, transpose_lhs_hint = false} : vector<1250x128xbf16>, vector<128x128xbf16>, vector<1250x128xf32> -> vector<1250x128xf32>
    %get3A_170 = arith.constant 0 : index
    %get3A_171 = arith.constant 0 : index
    %get3A_172 = vector.load %arg17[%get3A_170, %get3A_171] : memref<1x128xf32, #tpu.memory_space<vmem>>, vector<1x128xf32>
    %add3A_173 = vector.broadcast %get3A_172 : vector<1x128xf32> to vector<1250x128xf32>
    %add3A_174 = arith.addf %dot_general3A_169, %add3A_173 : vector<1250x128xf32>
    %get3A_175 = arith.constant 0 : index
    %get3A_176 = arith.constant 0 : index
    %get3A_177 = vector.load %arg18[%get3A_175, %get3A_176] : memref<1x128xf32, #tpu.memory_space<vmem>>, vector<1x128xf32>
    %get3A_178 = arith.constant 0 : index
    %get3A_179 = arith.constant 0 : index
    %get3A_180 = vector.load %arg19[%get3A_178, %get3A_179] : memref<1x128xf32, #tpu.memory_space<vmem>>, vector<1x128xf32>
    %reduce_sum3A_181 = arith.constant dense<0.000000e+00> : vector<1250xf32>
    %reduce_sum3A_182 = vector.multi_reduction <add>, %add3A_174, %reduce_sum3A_181 [1] : vector<1250x128xf32> to vector<1250xf32>
    %broadcast_in_dim3A_183 = vector.shape_cast %reduce_sum3A_182 : vector<1250xf32> to vector<1250x1xf32>
    %div3A_184 = arith.constant 1.280000e+02 : f32
    %div3A_185 = vector.broadcast %div3A_184 : f32 to vector<1250x1xf32>
    %div3A_186 = arith.divf %broadcast_in_dim3A_183, %div3A_185 : vector<1250x1xf32>
    %jit3A_187 = arith.constant 0 : i32
    %reduce_sum3A_188 = arith.constant dense<0.000000e+00> : vector<1250xf32>
    %reduce_sum3A_189 = vector.multi_reduction <add>, %add3A_174, %reduce_sum3A_188 [1] : vector<1250x128xf32> to vector<1250xf32>
    %broadcast_in_dim3A_190 = vector.shape_cast %reduce_sum3A_189 : vector<1250xf32> to vector<1250x1xf32>
    %div3A_191 = arith.constant 1.280000e+02 : f32
    %div3A_192 = vector.broadcast %div3A_191 : f32 to vector<1250x1xf32>
    %div3A_193 = arith.divf %broadcast_in_dim3A_190, %div3A_192 : vector<1250x1xf32>
    %sub3A_194 = vector.broadcast %div3A_193 : vector<1250x1xf32> to vector<1250x128xf32>
    %sub3A_195 = arith.subf %add3A_174, %sub3A_194 : vector<1250x128xf32>
    %square3A_196 = arith.mulf %sub3A_195, %sub3A_195 : vector<1250x128xf32>
    %convert_element_type3A_197 = arith.sitofp %jit3A_187 : i32 to f32
    %sub3A_198 = arith.constant 1.280000e+02 : f32
    %sub3A_199 = arith.subf %sub3A_198, %convert_element_type3A_197 : f32
    %reduce_sum3A_200 = arith.constant dense<0.000000e+00> : vector<1250xf32>
    %reduce_sum3A_201 = vector.multi_reduction <add>, %square3A_196, %reduce_sum3A_200 [1] : vector<1250x128xf32> to vector<1250xf32>
    %broadcast_in_dim3A_202 = vector.shape_cast %reduce_sum3A_201 : vector<1250xf32> to vector<1250x1xf32>
    %div3A_203 = vector.broadcast %sub3A_199 : f32 to vector<1250x1xf32>
    %div3A_204 = arith.divf %broadcast_in_dim3A_202, %div3A_203 : vector<1250x1xf32>
    %gt3A_205 = arith.constant 0.000000e+00 : f32
    %gt3A_206 = arith.cmpf ogt, %sub3A_199, %gt3A_205 : f32
    %jit3A_207 = arith.constant 0x7FC00000 : f32
    %broadcast_in_dim3A_208 = vector.broadcast %jit3A_207 : f32 to vector<1250x1xf32>
    %select_n3A_209 = arith.select %gt3A_206, %div3A_204, %broadcast_in_dim3A_208 : vector<1250x1xf32>
    %sub3A_210 = vector.broadcast %div3A_186 : vector<1250x1xf32> to vector<1250x128xf32>
    %sub3A_211 = arith.subf %add3A_174, %sub3A_210 : vector<1250x128xf32>
    %add3A_212 = arith.constant 9.99999974E-6 : f32
    %add3A_213 = vector.broadcast %add3A_212 : f32 to vector<1250x1xf32>
    %add3A_214 = arith.addf %select_n3A_209, %add3A_213 : vector<1250x1xf32>
    %sqrt3A_215 = math.sqrt %add3A_214 : vector<1250x1xf32>
    %div3A_216 = vector.broadcast %sqrt3A_215 : vector<1250x1xf32> to vector<1250x128xf32>
    %div3A_217 = arith.divf %sub3A_211, %div3A_216 : vector<1250x128xf32>
    %mul3A_218 = vector.broadcast %get3A_177 : vector<1x128xf32> to vector<1250x128xf32>
    %mul3A_219 = arith.mulf %div3A_217, %mul3A_218 : vector<1250x128xf32>
    %add3A_220 = vector.broadcast %get3A_180 : vector<1x128xf32> to vector<1250x128xf32>
    %add3A_221 = arith.addf %mul3A_219, %add3A_220 : vector<1250x128xf32>
    %convert_element_type3A_222 = arith.truncf %add3A_221 : vector<1250x128xf32> to vector<1250x128xbf16>
    %dot_general3A_223 = arith.constant dense<0.000000e+00> : vector<1250x1250xf32>
    %dot_general3A_224 = tpu.matmul %convert_element_type3A_222, %convert_element_type3A_222, %dot_general3A_223 {dimension_numbers = #tpu.dot_dimension_numbers<[1], [1], [0], [0], [0, 0, 1, 0], [], []>, transpose_lhs_hint = false} : vector<1250x128xbf16>, vector<1250x128xbf16>, vector<1250x1250xf32> -> vector<1250x1250xf32>
    %mul3A_225 = arith.constant 0.0883883461 : f32
    %mul3A_226 = vector.broadcast %mul3A_225 : f32 to vector<1250x1250xf32>
    %mul3A_227 = arith.mulf %dot_general3A_224, %mul3A_226 : vector<1250x1250xf32>
    %swap3A = arith.constant 0 : index
    %swap3A_228 = arith.constant 0 : index
    %swap3A_229 = arith.constant 0 : index
    %swap3A_230 = vector.load %arg30[%swap3A, %swap3A_228, %swap3A_229] : memref<1x1250x1408xf32, #tpu.memory_space<vmem>>, vector<1x1250x1250xf32>
    %swap3A_231 = vector.shape_cast %swap3A_230 : vector<1x1250x1250xf32> to vector<1250x1250xf32>
    %swap3A_232 = vector.shape_cast %mul3A_227 : vector<1250x1250xf32> to vector<1x1250x1250xf32>
    tpu.vector_store %arg30[%swap3A, %swap3A_228, %swap3A_229], %swap3A_232 {strides = array<i32>} : memref<1x1250x1408xf32, #tpu.memory_space<vmem>>, vector<1x1250x1250xf32>,
    %reduce_sum3A_233 = arith.constant dense<0.000000e+00> : vector<128xf32>
    %reduce_sum3A_234 = vector.multi_reduction <add>, %add3A_221, %reduce_sum3A_233 [0] : vector<1250x128xf32> to vector<128xf32>
    %broadcast_in_dim3A_235 = vector.shape_cast %reduce_sum3A_234 : vector<128xf32> to vector<1x128xf32>
    %div3A_236 = arith.constant 1.250000e+03 : f32
    %div3A_237 = vector.broadcast %div3A_236 : f32 to vector<1x128xf32>
    %div3A_238 = arith.divf %broadcast_in_dim3A_235, %div3A_237 : vector<1x128xf32>
    %get3A_239 = arith.constant 0 : index
    %get3A_240 = arith.constant 0 : index
    %get3A_241 = arith.constant 0 : index
    %get3A_242 = vector.load %arg20[%get3A_239, %get3A_240, %get3A_241] : memref<4x128x128xf32, #tpu.memory_space<vmem>>, vector<1x128x128xf32>
    %get3A_243 = vector.shape_cast %get3A_242 : vector<1x128x128xf32> to vector<128x128xf32>
    %convert_element_type3A_244 = arith.truncf %div3A_238 : vector<1x128xf32> to vector<1x128xbf16>
    %convert_element_type3A_245 = arith.truncf %get3A_243 : vector<128x128xf32> to vector<128x128xbf16>
    %dot_general3A_246 = arith.constant dense<0.000000e+00> : vector<1x128xf32>
    %dot_general3A_247 = tpu.matmul %convert_element_type3A_244, %convert_element_type3A_245, %dot_general3A_246 {dimension_numbers = #tpu.dot_dimension_numbers<[1], [0], [0], [1], [0, 0, 1, 1], [], []>, transpose_lhs_hint = false} : vector<1x128xbf16>, vector<128x128xbf16>, vector<1x128xf32> -> vector<1x128xf32>
    %get3A_248 = arith.constant 0 : index
    %get3A_249 = arith.constant 0 : index
    %get3A_250 = vector.load %arg21[%get3A_248, %get3A_249] : memref<4x128xf32, #tpu.memory_space<vmem>>, vector<1x128xf32>
    %get3A_251 = vector.shape_cast %get3A_250 : vector<1x128xf32> to vector<128xf32>
    %broadcast_in_dim3A_252 = vector.shape_cast %get3A_251 : vector<128xf32> to vector<1x128xf32>
    %add3A_253 = arith.addf %dot_general3A_247, %broadcast_in_dim3A_252 : vector<1x128xf32>
    %get3A_254 = arith.constant 0 : index
    %get3A_255 = arith.constant 0 : index
    %get3A_256 = vector.load %arg22[%get3A_254, %get3A_255] : memref<4x128xf32, #tpu.memory_space<vmem>>, vector<1x128xf32>
    %get3A_257 = vector.shape_cast %get3A_256 : vector<1x128xf32> to vector<128xf32>
    %get3A_258 = arith.constant 0 : index
    %get3A_259 = arith.constant 0 : index
    %get3A_260 = vector.load %arg23[%get3A_258, %get3A_259] : memref<4x128xf32, #tpu.memory_space<vmem>>, vector<1x128xf32>
    %get3A_261 = vector.shape_cast %get3A_260 : vector<1x128xf32> to vector<128xf32>
    %reduce_sum3A_262 = arith.constant dense<0.000000e+00> : vector<1xf32>
    %reduce_sum3A_263 = vector.multi_reduction <add>, %add3A_253, %reduce_sum3A_262 [1] : vector<1x128xf32> to vector<1xf32>
    %broadcast_in_dim3A_264 = vector.shape_cast %reduce_sum3A_263 : vector<1xf32> to vector<1x1xf32>
    %div3A_265 = arith.constant 1.280000e+02 : f32
    %div3A_266 = vector.broadcast %div3A_265 : f32 to vector<1x1xf32>
    %div3A_267 = arith.divf %broadcast_in_dim3A_264, %div3A_266 : vector<1x1xf32>
    %jit3A_268 = arith.constant 0 : i32
    %reduce_sum3A_269 = arith.constant dense<0.000000e+00> : vector<1xf32>
    %reduce_sum3A_270 = vector.multi_reduction <add>, %add3A_253, %reduce_sum3A_269 [1] : vector<1x128xf32> to vector<1xf32>
    %broadcast_in_dim3A_271 = vector.shape_cast %reduce_sum3A_270 : vector<1xf32> to vector<1x1xf32>
    %div3A_272 = arith.constant 1.280000e+02 : f32
    %div3A_273 = vector.broadcast %div3A_272 : f32 to vector<1x1xf32>
    %div3A_274 = arith.divf %broadcast_in_dim3A_271, %div3A_273 : vector<1x1xf32>
    %sub3A_275 = vector.broadcast %div3A_274 : vector<1x1xf32> to vector<1x128xf32>
    %sub3A_276 = arith.subf %add3A_253, %sub3A_275 : vector<1x128xf32>
    %square3A_277 = arith.mulf %sub3A_276, %sub3A_276 : vector<1x128xf32>
    %convert_element_type3A_278 = arith.sitofp %jit3A_268 : i32 to f32
    %sub3A_279 = arith.constant 1.280000e+02 : f32
    %sub3A_280 = arith.subf %sub3A_279, %convert_element_type3A_278 : f32
    %reduce_sum3A_281 = arith.constant dense<0.000000e+00> : vector<1xf32>
    %reduce_sum3A_282 = vector.multi_reduction <add>, %square3A_277, %reduce_sum3A_281 [1] : vector<1x128xf32> to vector<1xf32>
    %broadcast_in_dim3A_283 = vector.shape_cast %reduce_sum3A_282 : vector<1xf32> to vector<1x1xf32>
    %div3A_284 = vector.broadcast %sub3A_280 : f32 to vector<1x1xf32>
    %div3A_285 = arith.divf %broadcast_in_dim3A_283, %div3A_284 : vector<1x1xf32>
    %gt3A_286 = arith.constant 0.000000e+00 : f32
    %gt3A_287 = arith.cmpf ogt, %sub3A_280, %gt3A_286 : f32
    %jit3A_288 = arith.constant 0x7FC00000 : f32
    %broadcast_in_dim3A_289 = vector.broadcast %jit3A_288 : f32 to vector<1x1xf32>
    %select_n3A_290 = arith.select %gt3A_287, %div3A_285, %broadcast_in_dim3A_289 : vector<1x1xf32>
    %sub3A_291 = vector.broadcast %div3A_267 : vector<1x1xf32> to vector<1x128xf32>
    %sub3A_292 = arith.subf %add3A_253, %sub3A_291 : vector<1x128xf32>
    %add3A_293 = arith.constant 9.99999974E-6 : f32
    %add3A_294 = vector.broadcast %add3A_293 : f32 to vector<1x1xf32>
    %add3A_295 = arith.addf %select_n3A_290, %add3A_294 : vector<1x1xf32>
    %sqrt3A_296 = math.sqrt %add3A_295 : vector<1x1xf32>
    %div3A_297 = vector.broadcast %sqrt3A_296 : vector<1x1xf32> to vector<1x128xf32>
    %div3A_298 = arith.divf %sub3A_292, %div3A_297 : vector<1x128xf32>
    %broadcast_in_dim3A_299 = vector.shape_cast %get3A_257 : vector<128xf32> to vector<1x128xf32>
    %mul3A_300 = arith.mulf %div3A_298, %broadcast_in_dim3A_299 : vector<1x128xf32>
    %broadcast_in_dim3A_301 = vector.shape_cast %get3A_261 : vector<128xf32> to vector<1x128xf32>
    %add3A_302 = arith.addf %mul3A_300, %broadcast_in_dim3A_301 : vector<1x128xf32>
    %max3A_303 = arith.constant 0.000000e+00 : f32
    %max3A_304 = vector.broadcast %max3A_303 : f32 to vector<1x128xf32>
    %max3A_305 = arith.maximumf %add3A_302, %max3A_304 : vector<1x128xf32>
    %get3A_306 = arith.constant 0 : index
    %get3A_307 = arith.constant 0 : index
    %get3A_308 = arith.constant 0 : index
    %get3A_309 = vector.load %arg24[%get3A_306, %get3A_307, %get3A_308] : memref<4x128x128xf32, #tpu.memory_space<vmem>>, vector<1x128x128xf32>
    %get3A_310 = vector.shape_cast %get3A_309 : vector<1x128x128xf32> to vector<128x128xf32>
    %convert_element_type3A_311 = arith.truncf %max3A_305 : vector<1x128xf32> to vector<1x128xbf16>
    %convert_element_type3A_312 = arith.truncf %get3A_310 : vector<128x128xf32> to vector<128x128xbf16>
    %dot_general3A_313 = arith.constant dense<0.000000e+00> : vector<1x128xf32>
    %dot_general3A_314 = tpu.matmul %convert_element_type3A_311, %convert_element_type3A_312, %dot_general3A_313 {dimension_numbers = #tpu.dot_dimension_numbers<[1], [0], [0], [1], [0, 0, 1, 1], [], []>, transpose_lhs_hint = false} : vector<1x128xbf16>, vector<128x128xbf16>, vector<1x128xf32> -> vector<1x128xf32>
    %get3A_315 = arith.constant 0 : index
    %get3A_316 = arith.constant 0 : index
    %get3A_317 = vector.load %arg25[%get3A_315, %get3A_316] : memref<4x128xf32, #tpu.memory_space<vmem>>, vector<1x128xf32>
    %get3A_318 = vector.shape_cast %get3A_317 : vector<1x128xf32> to vector<128xf32>
    %broadcast_in_dim3A_319 = vector.shape_cast %get3A_318 : vector<128xf32> to vector<1x128xf32>
    %add3A_320 = arith.addf %dot_general3A_314, %broadcast_in_dim3A_319 : vector<1x128xf32>
    %get3A_321 = arith.constant 0 : index
    %get3A_322 = arith.constant 0 : index
    %get3A_323 = vector.load %arg26[%get3A_321, %get3A_322] : memref<4x128xf32, #tpu.memory_space<vmem>>, vector<1x128xf32>
    %get3A_324 = vector.shape_cast %get3A_323 : vector<1x128xf32> to vector<128xf32>
    %get3A_325 = arith.constant 0 : index
    %get3A_326 = arith.constant 0 : index
    %get3A_327 = vector.load %arg27[%get3A_325, %get3A_326] : memref<4x128xf32, #tpu.memory_space<vmem>>, vector<1x128xf32>
    %get3A_328 = vector.shape_cast %get3A_327 : vector<1x128xf32> to vector<128xf32>
    %reduce_sum3A_329 = arith.constant dense<0.000000e+00> : vector<1xf32>
    %reduce_sum3A_330 = vector.multi_reduction <add>, %add3A_320, %reduce_sum3A_329 [1] : vector<1x128xf32> to vector<1xf32>
    %broadcast_in_dim3A_331 = vector.shape_cast %reduce_sum3A_330 : vector<1xf32> to vector<1x1xf32>
    %div3A_332 = arith.constant 1.280000e+02 : f32
    %div3A_333 = vector.broadcast %div3A_332 : f32 to vector<1x1xf32>
    %div3A_334 = arith.divf %broadcast_in_dim3A_331, %div3A_333 : vector<1x1xf32>
    %jit3A_335 = arith.constant 0 : i32
    %reduce_sum3A_336 = arith.constant dense<0.000000e+00> : vector<1xf32>
    %reduce_sum3A_337 = vector.multi_reduction <add>, %add3A_320, %reduce_sum3A_336 [1] : vector<1x128xf32> to vector<1xf32>
    %broadcast_in_dim3A_338 = vector.shape_cast %reduce_sum3A_337 : vector<1xf32> to vector<1x1xf32>
    %div3A_339 = arith.constant 1.280000e+02 : f32
    %div3A_340 = vector.broadcast %div3A_339 : f32 to vector<1x1xf32>
    %div3A_341 = arith.divf %broadcast_in_dim3A_338, %div3A_340 : vector<1x1xf32>
    %sub3A_342 = vector.broadcast %div3A_341 : vector<1x1xf32> to vector<1x128xf32>
    %sub3A_343 = arith.subf %add3A_320, %sub3A_342 : vector<1x128xf32>
    %square3A_344 = arith.mulf %sub3A_343, %sub3A_343 : vector<1x128xf32>
    %convert_element_type3A_345 = arith.sitofp %jit3A_335 : i32 to f32
    %sub3A_346 = arith.constant 1.280000e+02 : f32
    %sub3A_347 = arith.subf %sub3A_346, %convert_element_type3A_345 : f32
    %reduce_sum3A_348 = arith.constant dense<0.000000e+00> : vector<1xf32>
    %reduce_sum3A_349 = vector.multi_reduction <add>, %square3A_344, %reduce_sum3A_348 [1] : vector<1x128xf32> to vector<1xf32>
    %broadcast_in_dim3A_350 = vector.shape_cast %reduce_sum3A_349 : vector<1xf32> to vector<1x1xf32>
    %div3A_351 = vector.broadcast %sub3A_347 : f32 to vector<1x1xf32>
    %div3A_352 = arith.divf %broadcast_in_dim3A_350, %div3A_351 : vector<1x1xf32>
    %gt3A_353 = arith.constant 0.000000e+00 : f32
    %gt3A_354 = arith.cmpf ogt, %sub3A_347, %gt3A_353 : f32
    %jit3A_355 = arith.constant 0x7FC00000 : f32
    %broadcast_in_dim3A_356 = vector.broadcast %jit3A_355 : f32 to vector<1x1xf32>
    %select_n3A_357 = arith.select %gt3A_354, %div3A_352, %broadcast_in_dim3A_356 : vector<1x1xf32>
    %sub3A_358 = vector.broadcast %div3A_334 : vector<1x1xf32> to vector<1x128xf32>
    %sub3A_359 = arith.subf %add3A_320, %sub3A_358 : vector<1x128xf32>
    %add3A_360 = arith.constant 9.99999974E-6 : f32
    %add3A_361 = vector.broadcast %add3A_360 : f32 to vector<1x1xf32>
    %add3A_362 = arith.addf %select_n3A_357, %add3A_361 : vector<1x1xf32>
    %sqrt3A_363 = math.sqrt %add3A_362 : vector<1x1xf32>
    %div3A_364 = vector.broadcast %sqrt3A_363 : vector<1x1xf32> to vector<1x128xf32>
    %div3A_365 = arith.divf %sub3A_359, %div3A_364 : vector<1x128xf32>
    %broadcast_in_dim3A_366 = vector.shape_cast %get3A_324 : vector<128xf32> to vector<1x128xf32>
    %mul3A_367 = arith.mulf %div3A_365, %broadcast_in_dim3A_366 : vector<1x128xf32>
    %broadcast_in_dim3A_368 = vector.shape_cast %get3A_328 : vector<128xf32> to vector<1x128xf32>
    %add3A_369 = arith.addf %mul3A_367, %broadcast_in_dim3A_368 : vector<1x128xf32>
    %max3A_370 = arith.constant 0.000000e+00 : f32
    %max3A_371 = vector.broadcast %max3A_370 : f32 to vector<1x128xf32>
    %max3A_372 = arith.maximumf %add3A_369, %max3A_371 : vector<1x128xf32>
    %get3A_373 = arith.constant 0 : index
    %get3A_374 = arith.constant 0 : index
    %get3A_375 = arith.constant 0 : index
    %get3A_376 = vector.load %arg28[%get3A_373, %get3A_374, %get3A_375] : memref<4x128x16xf32, #tpu.memory_space<vmem>>, vector<1x128x16xf32>
    %get3A_377 = vector.shape_cast %get3A_376 : vector<1x128x16xf32> to vector<128x16xf32>
    %convert_element_type3A_378 = arith.truncf %max3A_372 : vector<1x128xf32> to vector<1x128xbf16>
    %convert_element_type3A_379 = arith.truncf %get3A_377 : vector<128x16xf32> to vector<128x16xbf16>
    %dot_general3A_380 = arith.constant dense<0.000000e+00> : vector<1x16xf32>
    %dot_general3A_381 = tpu.matmul %convert_element_type3A_378, %convert_element_type3A_379, %dot_general3A_380 {dimension_numbers = #tpu.dot_dimension_numbers<[1], [0], [0], [1], [0, 0, 1, 1], [], []>, transpose_lhs_hint = false} : vector<1x128xbf16>, vector<128x16xbf16>, vector<1x16xf32> -> vector<1x16xf32>
    %get3A_382 = arith.constant 0 : index
    %get3A_383 = arith.constant 0 : index
    %get3A_384 = vector.load %arg29[%get3A_382, %get3A_383] : memref<4x16xf32, #tpu.memory_space<vmem>>, vector<1x16xf32>
    %get3A_385 = vector.shape_cast %get3A_384 : vector<1x16xf32> to vector<16xf32>
    %broadcast_in_dim3A_386 = vector.shape_cast %get3A_385 : vector<16xf32> to vector<1x16xf32>
    %add3A_387 = arith.addf %dot_general3A_381, %broadcast_in_dim3A_386 : vector<1x16xf32>
    %get3A_388 = arith.constant 1 : index
    %get3A_389 = arith.constant 0 : index
    %get3A_390 = arith.constant 0 : index
    %get3A_391 = vector.load %arg20[%get3A_388, %get3A_389, %get3A_390] : memref<4x128x128xf32, #tpu.memory_space<vmem>>, vector<1x128x128xf32>
    %get3A_392 = vector.shape_cast %get3A_391 : vector<1x128x128xf32> to vector<128x128xf32>
    %convert_element_type3A_393 = arith.truncf %div3A_238 : vector<1x128xf32> to vector<1x128xbf16>
    %convert_element_type3A_394 = arith.truncf %get3A_392 : vector<128x128xf32> to vector<128x128xbf16>
    %dot_general3A_395 = arith.constant dense<0.000000e+00> : vector<1x128xf32>
    %dot_general3A_396 = tpu.matmul %convert_element_type3A_393, %convert_element_type3A_394, %dot_general3A_395 {dimension_numbers = #tpu.dot_dimension_numbers<[1], [0], [0], [1], [0, 0, 1, 1], [], []>, transpose_lhs_hint = false} : vector<1x128xbf16>, vector<128x128xbf16>, vector<1x128xf32> -> vector<1x128xf32>
    %get3A_397 = arith.constant 1 : index
    %get3A_398 = arith.constant 0 : index
    %get3A_399 = vector.load %arg21[%get3A_397, %get3A_398] : memref<4x128xf32, #tpu.memory_space<vmem>>, vector<1x128xf32>
    %get3A_400 = vector.shape_cast %get3A_399 : vector<1x128xf32> to vector<128xf32>
    %broadcast_in_dim3A_401 = vector.shape_cast %get3A_400 : vector<128xf32> to vector<1x128xf32>
    %add3A_402 = arith.addf %dot_general3A_396, %broadcast_in_dim3A_401 : vector<1x128xf32>
    %get3A_403 = arith.constant 1 : index
    %get3A_404 = arith.constant 0 : index
    %get3A_405 = vector.load %arg22[%get3A_403, %get3A_404] : memref<4x128xf32, #tpu.memory_space<vmem>>, vector<1x128xf32>
    %get3A_406 = vector.shape_cast %get3A_405 : vector<1x128xf32> to vector<128xf32>
    %get3A_407 = arith.constant 1 : index
    %get3A_408 = arith.constant 0 : index
    %get3A_409 = vector.load %arg23[%get3A_407, %get3A_408] : memref<4x128xf32, #tpu.memory_space<vmem>>, vector<1x128xf32>
    %get3A_410 = vector.shape_cast %get3A_409 : vector<1x128xf32> to vector<128xf32>
    %reduce_sum3A_411 = arith.constant dense<0.000000e+00> : vector<1xf32>
    %reduce_sum3A_412 = vector.multi_reduction <add>, %add3A_402, %reduce_sum3A_411 [1] : vector<1x128xf32> to vector<1xf32>
    %broadcast_in_dim3A_413 = vector.shape_cast %reduce_sum3A_412 : vector<1xf32> to vector<1x1xf32>
    %div3A_414 = arith.constant 1.280000e+02 : f32
    %div3A_415 = vector.broadcast %div3A_414 : f32 to vector<1x1xf32>
    %div3A_416 = arith.divf %broadcast_in_dim3A_413, %div3A_415 : vector<1x1xf32>
    %jit3A_417 = arith.constant 0 : i32
    %reduce_sum3A_418 = arith.constant dense<0.000000e+00> : vector<1xf32>
    %reduce_sum3A_419 = vector.multi_reduction <add>, %add3A_402, %reduce_sum3A_418 [1] : vector<1x128xf32> to vector<1xf32>
    %broadcast_in_dim3A_420 = vector.shape_cast %reduce_sum3A_419 : vector<1xf32> to vector<1x1xf32>
    %div3A_421 = arith.constant 1.280000e+02 : f32
    %div3A_422 = vector.broadcast %div3A_421 : f32 to vector<1x1xf32>
    %div3A_423 = arith.divf %broadcast_in_dim3A_420, %div3A_422 : vector<1x1xf32>
    %sub3A_424 = vector.broadcast %div3A_423 : vector<1x1xf32> to vector<1x128xf32>
    %sub3A_425 = arith.subf %add3A_402, %sub3A_424 : vector<1x128xf32>
    %square3A_426 = arith.mulf %sub3A_425, %sub3A_425 : vector<1x128xf32>
    %convert_element_type3A_427 = arith.sitofp %jit3A_417 : i32 to f32
    %sub3A_428 = arith.constant 1.280000e+02 : f32
    %sub3A_429 = arith.subf %sub3A_428, %convert_element_type3A_427 : f32
    %reduce_sum3A_430 = arith.constant dense<0.000000e+00> : vector<1xf32>
    %reduce_sum3A_431 = vector.multi_reduction <add>, %square3A_426, %reduce_sum3A_430 [1] : vector<1x128xf32> to vector<1xf32>
    %broadcast_in_dim3A_432 = vector.shape_cast %reduce_sum3A_431 : vector<1xf32> to vector<1x1xf32>
    %div3A_433 = vector.broadcast %sub3A_429 : f32 to vector<1x1xf32>
    %div3A_434 = arith.divf %broadcast_in_dim3A_432, %div3A_433 : vector<1x1xf32>
    %gt3A_435 = arith.constant 0.000000e+00 : f32
    %gt3A_436 = arith.cmpf ogt, %sub3A_429, %gt3A_435 : f32
    %jit3A_437 = arith.constant 0x7FC00000 : f32
    %broadcast_in_dim3A_438 = vector.broadcast %jit3A_437 : f32 to vector<1x1xf32>
    %select_n3A_439 = arith.select %gt3A_436, %div3A_434, %broadcast_in_dim3A_438 : vector<1x1xf32>
    %sub3A_440 = vector.broadcast %div3A_416 : vector<1x1xf32> to vector<1x128xf32>
    %sub3A_441 = arith.subf %add3A_402, %sub3A_440 : vector<1x128xf32>
    %add3A_442 = arith.constant 9.99999974E-6 : f32
    %add3A_443 = vector.broadcast %add3A_442 : f32 to vector<1x1xf32>
    %add3A_444 = arith.addf %select_n3A_439, %add3A_443 : vector<1x1xf32>
    %sqrt3A_445 = math.sqrt %add3A_444 : vector<1x1xf32>
    %div3A_446 = vector.broadcast %sqrt3A_445 : vector<1x1xf32> to vector<1x128xf32>
    %div3A_447 = arith.divf %sub3A_441, %div3A_446 : vector<1x128xf32>
    %broadcast_in_dim3A_448 = vector.shape_cast %get3A_406 : vector<128xf32> to vector<1x128xf32>
    %mul3A_449 = arith.mulf %div3A_447, %broadcast_in_dim3A_448 : vector<1x128xf32>
    %broadcast_in_dim3A_450 = vector.shape_cast %get3A_410 : vector<128xf32> to vector<1x128xf32>
    %add3A_451 = arith.addf %mul3A_449, %broadcast_in_dim3A_450 : vector<1x128xf32>
    %max3A_452 = arith.constant 0.000000e+00 : f32
    %max3A_453 = vector.broadcast %max3A_452 : f32 to vector<1x128xf32>
    %max3A_454 = arith.maximumf %add3A_451, %max3A_453 : vector<1x128xf32>
    %get3A_455 = arith.constant 1 : index
    %get3A_456 = arith.constant 0 : index
    %get3A_457 = arith.constant 0 : index
    %get3A_458 = vector.load %arg24[%get3A_455, %get3A_456, %get3A_457] : memref<4x128x128xf32, #tpu.memory_space<vmem>>, vector<1x128x128xf32>
    %get3A_459 = vector.shape_cast %get3A_458 : vector<1x128x128xf32> to vector<128x128xf32>
    %convert_element_type3A_460 = arith.truncf %max3A_454 : vector<1x128xf32> to vector<1x128xbf16>
    %convert_element_type3A_461 = arith.truncf %get3A_459 : vector<128x128xf32> to vector<128x128xbf16>
    %dot_general3A_462 = arith.constant dense<0.000000e+00> : vector<1x128xf32>
    %dot_general3A_463 = tpu.matmul %convert_element_type3A_460, %convert_element_type3A_461, %dot_general3A_462 {dimension_numbers = #tpu.dot_dimension_numbers<[1], [0], [0], [1], [0, 0, 1, 1], [], []>, transpose_lhs_hint = false} : vector<1x128xbf16>, vector<128x128xbf16>, vector<1x128xf32> -> vector<1x128xf32>
    %get3A_464 = arith.constant 1 : index
    %get3A_465 = arith.constant 0 : index
    %get3A_466 = vector.load %arg25[%get3A_464, %get3A_465] : memref<4x128xf32, #tpu.memory_space<vmem>>, vector<1x128xf32>
    %get3A_467 = vector.shape_cast %get3A_466 : vector<1x128xf32> to vector<128xf32>
    %broadcast_in_dim3A_468 = vector.shape_cast %get3A_467 : vector<128xf32> to vector<1x128xf32>
    %add3A_469 = arith.addf %dot_general3A_463, %broadcast_in_dim3A_468 : vector<1x128xf32>
    %get3A_470 = arith.constant 1 : index
    %get3A_471 = arith.constant 0 : index
    %get3A_472 = vector.load %arg26[%get3A_470, %get3A_471] : memref<4x128xf32, #tpu.memory_space<vmem>>, vector<1x128xf32>
    %get3A_473 = vector.shape_cast %get3A_472 : vector<1x128xf32> to vector<128xf32>
    %get3A_474 = arith.constant 1 : index
    %get3A_475 = arith.constant 0 : index
    %get3A_476 = vector.load %arg27[%get3A_474, %get3A_475] : memref<4x128xf32, #tpu.memory_space<vmem>>, vector<1x128xf32>
    %get3A_477 = vector.shape_cast %get3A_476 : vector<1x128xf32> to vector<128xf32>
    %reduce_sum3A_478 = arith.constant dense<0.000000e+00> : vector<1xf32>
    %reduce_sum3A_479 = vector.multi_reduction <add>, %add3A_469, %reduce_sum3A_478 [1] : vector<1x128xf32> to vector<1xf32>
    %broadcast_in_dim3A_480 = vector.shape_cast %reduce_sum3A_479 : vector<1xf32> to vector<1x1xf32>
    %div3A_481 = arith.constant 1.280000e+02 : f32
    %div3A_482 = vector.broadcast %div3A_481 : f32 to vector<1x1xf32>
    %div3A_483 = arith.divf %broadcast_in_dim3A_480, %div3A_482 : vector<1x1xf32>
    %jit3A_484 = arith.constant 0 : i32
    %reduce_sum3A_485 = arith.constant dense<0.000000e+00> : vector<1xf32>
    %reduce_sum3A_486 = vector.multi_reduction <add>, %add3A_469, %reduce_sum3A_485 [1] : vector<1x128xf32> to vector<1xf32>
    %broadcast_in_dim3A_487 = vector.shape_cast %reduce_sum3A_486 : vector<1xf32> to vector<1x1xf32>
    %div3A_488 = arith.constant 1.280000e+02 : f32
    %div3A_489 = vector.broadcast %div3A_488 : f32 to vector<1x1xf32>
    %div3A_490 = arith.divf %broadcast_in_dim3A_487, %div3A_489 : vector<1x1xf32>
    %sub3A_491 = vector.broadcast %div3A_490 : vector<1x1xf32> to vector<1x128xf32>
    %sub3A_492 = arith.subf %add3A_469, %sub3A_491 : vector<1x128xf32>
    %square3A_493 = arith.mulf %sub3A_492, %sub3A_492 : vector<1x128xf32>
    %convert_element_type3A_494 = arith.sitofp %jit3A_484 : i32 to f32
    %sub3A_495 = arith.constant 1.280000e+02 : f32
    %sub3A_496 = arith.subf %sub3A_495, %convert_element_type3A_494 : f32
    %reduce_sum3A_497 = arith.constant dense<0.000000e+00> : vector<1xf32>
    %reduce_sum3A_498 = vector.multi_reduction <add>, %square3A_493, %reduce_sum3A_497 [1] : vector<1x128xf32> to vector<1xf32>
    %broadcast_in_dim3A_499 = vector.shape_cast %reduce_sum3A_498 : vector<1xf32> to vector<1x1xf32>
    %div3A_500 = vector.broadcast %sub3A_496 : f32 to vector<1x1xf32>
    %div3A_501 = arith.divf %broadcast_in_dim3A_499, %div3A_500 : vector<1x1xf32>
    %gt3A_502 = arith.constant 0.000000e+00 : f32
    %gt3A_503 = arith.cmpf ogt, %sub3A_496, %gt3A_502 : f32
    %jit3A_504 = arith.constant 0x7FC00000 : f32
    %broadcast_in_dim3A_505 = vector.broadcast %jit3A_504 : f32 to vector<1x1xf32>
    %select_n3A_506 = arith.select %gt3A_503, %div3A_501, %broadcast_in_dim3A_505 : vector<1x1xf32>
    %sub3A_507 = vector.broadcast %div3A_483 : vector<1x1xf32> to vector<1x128xf32>
    %sub3A_508 = arith.subf %add3A_469, %sub3A_507 : vector<1x128xf32>
    %add3A_509 = arith.constant 9.99999974E-6 : f32
    %add3A_510 = vector.broadcast %add3A_509 : f32 to vector<1x1xf32>
    %add3A_511 = arith.addf %select_n3A_506, %add3A_510 : vector<1x1xf32>
    %sqrt3A_512 = math.sqrt %add3A_511 : vector<1x1xf32>
    %div3A_513 = vector.broadcast %sqrt3A_512 : vector<1x1xf32> to vector<1x128xf32>
    %div3A_514 = arith.divf %sub3A_508, %div3A_513 : vector<1x128xf32>
    %broadcast_in_dim3A_515 = vector.shape_cast %get3A_473 : vector<128xf32> to vector<1x128xf32>
    %mul3A_516 = arith.mulf %div3A_514, %broadcast_in_dim3A_515 : vector<1x128xf32>
    %broadcast_in_dim3A_517 = vector.shape_cast %get3A_477 : vector<128xf32> to vector<1x128xf32>
    %add3A_518 = arith.addf %mul3A_516, %broadcast_in_dim3A_517 : vector<1x128xf32>
    %max3A_519 = arith.constant 0.000000e+00 : f32
    %max3A_520 = vector.broadcast %max3A_519 : f32 to vector<1x128xf32>
    %max3A_521 = arith.maximumf %add3A_518, %max3A_520 : vector<1x128xf32>
    %get3A_522 = arith.constant 1 : index
    %get3A_523 = arith.constant 0 : index
    %get3A_524 = arith.constant 0 : index
    %get3A_525 = vector.load %arg28[%get3A_522, %get3A_523, %get3A_524] : memref<4x128x16xf32, #tpu.memory_space<vmem>>, vector<1x128x16xf32>
    %get3A_526 = vector.shape_cast %get3A_525 : vector<1x128x16xf32> to vector<128x16xf32>
    %convert_element_type3A_527 = arith.truncf %max3A_521 : vector<1x128xf32> to vector<1x128xbf16>
    %convert_element_type3A_528 = arith.truncf %get3A_526 : vector<128x16xf32> to vector<128x16xbf16>
    %dot_general3A_529 = arith.constant dense<0.000000e+00> : vector<1x16xf32>
    %dot_general3A_530 = tpu.matmul %convert_element_type3A_527, %convert_element_type3A_528, %dot_general3A_529 {dimension_numbers = #tpu.dot_dimension_numbers<[1], [0], [0], [1], [0, 0, 1, 1], [], []>, transpose_lhs_hint = false} : vector<1x128xbf16>, vector<128x16xbf16>, vector<1x16xf32> -> vector<1x16xf32>
    %get3A_531 = arith.constant 1 : index
    %get3A_532 = arith.constant 0 : index
    %get3A_533 = vector.load %arg29[%get3A_531, %get3A_532] : memref<4x16xf32, #tpu.memory_space<vmem>>, vector<1x16xf32>
    %get3A_534 = vector.shape_cast %get3A_533 : vector<1x16xf32> to vector<16xf32>
    %broadcast_in_dim3A_535 = vector.shape_cast %get3A_534 : vector<16xf32> to vector<1x16xf32>
    %add3A_536 = arith.addf %dot_general3A_530, %broadcast_in_dim3A_535 : vector<1x16xf32>
    %get3A_537 = arith.constant 2 : index
    %get3A_538 = arith.constant 0 : index
    %get3A_539 = arith.constant 0 : index
    %get3A_540 = vector.load %arg20[%get3A_537, %get3A_538, %get3A_539] : memref<4x128x128xf32, #tpu.memory_space<vmem>>, vector<1x128x128xf32>
    %get3A_541 = vector.shape_cast %get3A_540 : vector<1x128x128xf32> to vector<128x128xf32>
    %convert_element_type3A_542 = arith.truncf %div3A_238 : vector<1x128xf32> to vector<1x128xbf16>
    %convert_element_type3A_543 = arith.truncf %get3A_541 : vector<128x128xf32> to vector<128x128xbf16>
    %dot_general3A_544 = arith.constant dense<0.000000e+00> : vector<1x128xf32>
    %dot_general3A_545 = tpu.matmul %convert_element_type3A_542, %convert_element_type3A_543, %dot_general3A_544 {dimension_numbers = #tpu.dot_dimension_numbers<[1], [0], [0], [1], [0, 0, 1, 1], [], []>, transpose_lhs_hint = false} : vector<1x128xbf16>, vector<128x128xbf16>, vector<1x128xf32> -> vector<1x128xf32>
    %get3A_546 = arith.constant 2 : index
    %get3A_547 = arith.constant 0 : index
    %get3A_548 = vector.load %arg21[%get3A_546, %get3A_547] : memref<4x128xf32, #tpu.memory_space<vmem>>, vector<1x128xf32>
    %get3A_549 = vector.shape_cast %get3A_548 : vector<1x128xf32> to vector<128xf32>
    %broadcast_in_dim3A_550 = vector.shape_cast %get3A_549 : vector<128xf32> to vector<1x128xf32>
    %add3A_551 = arith.addf %dot_general3A_545, %broadcast_in_dim3A_550 : vector<1x128xf32>
    %get3A_552 = arith.constant 2 : index
    %get3A_553 = arith.constant 0 : index
    %get3A_554 = vector.load %arg22[%get3A_552, %get3A_553] : memref<4x128xf32, #tpu.memory_space<vmem>>, vector<1x128xf32>
    %get3A_555 = vector.shape_cast %get3A_554 : vector<1x128xf32> to vector<128xf32>
    %get3A_556 = arith.constant 2 : index
    %get3A_557 = arith.constant 0 : index
    %get3A_558 = vector.load %arg23[%get3A_556, %get3A_557] : memref<4x128xf32, #tpu.memory_space<vmem>>, vector<1x128xf32>
    %get3A_559 = vector.shape_cast %get3A_558 : vector<1x128xf32> to vector<128xf32>
    %reduce_sum3A_560 = arith.constant dense<0.000000e+00> : vector<1xf32>
    %reduce_sum3A_561 = vector.multi_reduction <add>, %add3A_551, %reduce_sum3A_560 [1] : vector<1x128xf32> to vector<1xf32>
    %broadcast_in_dim3A_562 = vector.shape_cast %reduce_sum3A_561 : vector<1xf32> to vector<1x1xf32>
    %div3A_563 = arith.constant 1.280000e+02 : f32
    %div3A_564 = vector.broadcast %div3A_563 : f32 to vector<1x1xf32>
    %div3A_565 = arith.divf %broadcast_in_dim3A_562, %div3A_564 : vector<1x1xf32>
    %jit3A_566 = arith.constant 0 : i32
    %reduce_sum3A_567 = arith.constant dense<0.000000e+00> : vector<1xf32>
    %reduce_sum3A_568 = vector.multi_reduction <add>, %add3A_551, %reduce_sum3A_567 [1] : vector<1x128xf32> to vector<1xf32>
    %broadcast_in_dim3A_569 = vector.shape_cast %reduce_sum3A_568 : vector<1xf32> to vector<1x1xf32>
    %div3A_570 = arith.constant 1.280000e+02 : f32
    %div3A_571 = vector.broadcast %div3A_570 : f32 to vector<1x1xf32>
    %div3A_572 = arith.divf %broadcast_in_dim3A_569, %div3A_571 : vector<1x1xf32>
    %sub3A_573 = vector.broadcast %div3A_572 : vector<1x1xf32> to vector<1x128xf32>
    %sub3A_574 = arith.subf %add3A_551, %sub3A_573 : vector<1x128xf32>
    %square3A_575 = arith.mulf %sub3A_574, %sub3A_574 : vector<1x128xf32>
    %convert_element_type3A_576 = arith.sitofp %jit3A_566 : i32 to f32
    %sub3A_577 = arith.constant 1.280000e+02 : f32
    %sub3A_578 = arith.subf %sub3A_577, %convert_element_type3A_576 : f32
    %reduce_sum3A_579 = arith.constant dense<0.000000e+00> : vector<1xf32>
    %reduce_sum3A_580 = vector.multi_reduction <add>, %square3A_575, %reduce_sum3A_579 [1] : vector<1x128xf32> to vector<1xf32>
    %broadcast_in_dim3A_581 = vector.shape_cast %reduce_sum3A_580 : vector<1xf32> to vector<1x1xf32>
    %div3A_582 = vector.broadcast %sub3A_578 : f32 to vector<1x1xf32>
    %div3A_583 = arith.divf %broadcast_in_dim3A_581, %div3A_582 : vector<1x1xf32>
    %gt3A_584 = arith.constant 0.000000e+00 : f32
    %gt3A_585 = arith.cmpf ogt, %sub3A_578, %gt3A_584 : f32
    %jit3A_586 = arith.constant 0x7FC00000 : f32
    %broadcast_in_dim3A_587 = vector.broadcast %jit3A_586 : f32 to vector<1x1xf32>
    %select_n3A_588 = arith.select %gt3A_585, %div3A_583, %broadcast_in_dim3A_587 : vector<1x1xf32>
    %sub3A_589 = vector.broadcast %div3A_565 : vector<1x1xf32> to vector<1x128xf32>
    %sub3A_590 = arith.subf %add3A_551, %sub3A_589 : vector<1x128xf32>
    %add3A_591 = arith.constant 9.99999974E-6 : f32
    %add3A_592 = vector.broadcast %add3A_591 : f32 to vector<1x1xf32>
    %add3A_593 = arith.addf %select_n3A_588, %add3A_592 : vector<1x1xf32>
    %sqrt3A_594 = math.sqrt %add3A_593 : vector<1x1xf32>
    %div3A_595 = vector.broadcast %sqrt3A_594 : vector<1x1xf32> to vector<1x128xf32>
    %div3A_596 = arith.divf %sub3A_590, %div3A_595 : vector<1x128xf32>
    %broadcast_in_dim3A_597 = vector.shape_cast %get3A_555 : vector<128xf32> to vector<1x128xf32>
    %mul3A_598 = arith.mulf %div3A_596, %broadcast_in_dim3A_597 : vector<1x128xf32>
    %broadcast_in_dim3A_599 = vector.shape_cast %get3A_559 : vector<128xf32> to vector<1x128xf32>
    %add3A_600 = arith.addf %mul3A_598, %broadcast_in_dim3A_599 : vector<1x128xf32>
    %max3A_601 = arith.constant 0.000000e+00 : f32
    %max3A_602 = vector.broadcast %max3A_601 : f32 to vector<1x128xf32>
    %max3A_603 = arith.maximumf %add3A_600, %max3A_602 : vector<1x128xf32>
    %get3A_604 = arith.constant 2 : index
    %get3A_605 = arith.constant 0 : index
    %get3A_606 = arith.constant 0 : index
    %get3A_607 = vector.load %arg24[%get3A_604, %get3A_605, %get3A_606] : memref<4x128x128xf32, #tpu.memory_space<vmem>>, vector<1x128x128xf32>
    %get3A_608 = vector.shape_cast %get3A_607 : vector<1x128x128xf32> to vector<128x128xf32>
    %convert_element_type3A_609 = arith.truncf %max3A_603 : vector<1x128xf32> to vector<1x128xbf16>
    %convert_element_type3A_610 = arith.truncf %get3A_608 : vector<128x128xf32> to vector<128x128xbf16>
    %dot_general3A_611 = arith.constant dense<0.000000e+00> : vector<1x128xf32>
    %dot_general3A_612 = tpu.matmul %convert_element_type3A_609, %convert_element_type3A_610, %dot_general3A_611 {dimension_numbers = #tpu.dot_dimension_numbers<[1], [0], [0], [1], [0, 0, 1, 1], [], []>, transpose_lhs_hint = false} : vector<1x128xbf16>, vector<128x128xbf16>, vector<1x128xf32> -> vector<1x128xf32>
    %get3A_613 = arith.constant 2 : index
    %get3A_614 = arith.constant 0 : index
    %get3A_615 = vector.load %arg25[%get3A_613, %get3A_614] : memref<4x128xf32, #tpu.memory_space<vmem>>, vector<1x128xf32>
    %get3A_616 = vector.shape_cast %get3A_615 : vector<1x128xf32> to vector<128xf32>
    %broadcast_in_dim3A_617 = vector.shape_cast %get3A_616 : vector<128xf32> to vector<1x128xf32>
    %add3A_618 = arith.addf %dot_general3A_612, %broadcast_in_dim3A_617 : vector<1x128xf32>
    %get3A_619 = arith.constant 2 : index
    %get3A_620 = arith.constant 0 : index
    %get3A_621 = vector.load %arg26[%get3A_619, %get3A_620] : memref<4x128xf32, #tpu.memory_space<vmem>>, vector<1x128xf32>
    %get3A_622 = vector.shape_cast %get3A_621 : vector<1x128xf32> to vector<128xf32>
    %get3A_623 = arith.constant 2 : index
    %get3A_624 = arith.constant 0 : index
    %get3A_625 = vector.load %arg27[%get3A_623, %get3A_624] : memref<4x128xf32, #tpu.memory_space<vmem>>, vector<1x128xf32>
    %get3A_626 = vector.shape_cast %get3A_625 : vector<1x128xf32> to vector<128xf32>
    %reduce_sum3A_627 = arith.constant dense<0.000000e+00> : vector<1xf32>
    %reduce_sum3A_628 = vector.multi_reduction <add>, %add3A_618, %reduce_sum3A_627 [1] : vector<1x128xf32> to vector<1xf32>
    %broadcast_in_dim3A_629 = vector.shape_cast %reduce_sum3A_628 : vector<1xf32> to vector<1x1xf32>
    %div3A_630 = arith.constant 1.280000e+02 : f32
    %div3A_631 = vector.broadcast %div3A_630 : f32 to vector<1x1xf32>
    %div3A_632 = arith.divf %broadcast_in_dim3A_629, %div3A_631 : vector<1x1xf32>
    %jit3A_633 = arith.constant 0 : i32
    %reduce_sum3A_634 = arith.constant dense<0.000000e+00> : vector<1xf32>
    %reduce_sum3A_635 = vector.multi_reduction <add>, %add3A_618, %reduce_sum3A_634 [1] : vector<1x128xf32> to vector<1xf32>
    %broadcast_in_dim3A_636 = vector.shape_cast %reduce_sum3A_635 : vector<1xf32> to vector<1x1xf32>
    %div3A_637 = arith.constant 1.280000e+02 : f32
    %div3A_638 = vector.broadcast %div3A_637 : f32 to vector<1x1xf32>
    %div3A_639 = arith.divf %broadcast_in_dim3A_636, %div3A_638 : vector<1x1xf32>
    %sub3A_640 = vector.broadcast %div3A_639 : vector<1x1xf32> to vector<1x128xf32>
    %sub3A_641 = arith.subf %add3A_618, %sub3A_640 : vector<1x128xf32>
    %square3A_642 = arith.mulf %sub3A_641, %sub3A_641 : vector<1x128xf32>
    %convert_element_type3A_643 = arith.sitofp %jit3A_633 : i32 to f32
    %sub3A_644 = arith.constant 1.280000e+02 : f32
    %sub3A_645 = arith.subf %sub3A_644, %convert_element_type3A_643 : f32
    %reduce_sum3A_646 = arith.constant dense<0.000000e+00> : vector<1xf32>
    %reduce_sum3A_647 = vector.multi_reduction <add>, %square3A_642, %reduce_sum3A_646 [1] : vector<1x128xf32> to vector<1xf32>
    %broadcast_in_dim3A_648 = vector.shape_cast %reduce_sum3A_647 : vector<1xf32> to vector<1x1xf32>
    %div3A_649 = vector.broadcast %sub3A_645 : f32 to vector<1x1xf32>
    %div3A_650 = arith.divf %broadcast_in_dim3A_648, %div3A_649 : vector<1x1xf32>
    %gt3A_651 = arith.constant 0.000000e+00 : f32
    %gt3A_652 = arith.cmpf ogt, %sub3A_645, %gt3A_651 : f32
    %jit3A_653 = arith.constant 0x7FC00000 : f32
    %broadcast_in_dim3A_654 = vector.broadcast %jit3A_653 : f32 to vector<1x1xf32>
    %select_n3A_655 = arith.select %gt3A_652, %div3A_650, %broadcast_in_dim3A_654 : vector<1x1xf32>
    %sub3A_656 = vector.broadcast %div3A_632 : vector<1x1xf32> to vector<1x128xf32>
    %sub3A_657 = arith.subf %add3A_618, %sub3A_656 : vector<1x128xf32>
    %add3A_658 = arith.constant 9.99999974E-6 : f32
    %add3A_659 = vector.broadcast %add3A_658 : f32 to vector<1x1xf32>
    %add3A_660 = arith.addf %select_n3A_655, %add3A_659 : vector<1x1xf32>
    %sqrt3A_661 = math.sqrt %add3A_660 : vector<1x1xf32>
    %div3A_662 = vector.broadcast %sqrt3A_661 : vector<1x1xf32> to vector<1x128xf32>
    %div3A_663 = arith.divf %sub3A_657, %div3A_662 : vector<1x128xf32>
    %broadcast_in_dim3A_664 = vector.shape_cast %get3A_622 : vector<128xf32> to vector<1x128xf32>
    %mul3A_665 = arith.mulf %div3A_663, %broadcast_in_dim3A_664 : vector<1x128xf32>
    %broadcast_in_dim3A_666 = vector.shape_cast %get3A_626 : vector<128xf32> to vector<1x128xf32>
    %add3A_667 = arith.addf %mul3A_665, %broadcast_in_dim3A_666 : vector<1x128xf32>
    %max3A_668 = arith.constant 0.000000e+00 : f32
    %max3A_669 = vector.broadcast %max3A_668 : f32 to vector<1x128xf32>
    %max3A_670 = arith.maximumf %add3A_667, %max3A_669 : vector<1x128xf32>
    %get3A_671 = arith.constant 2 : index
    %get3A_672 = arith.constant 0 : index
    %get3A_673 = arith.constant 0 : index
    %get3A_674 = vector.load %arg28[%get3A_671, %get3A_672, %get3A_673] : memref<4x128x16xf32, #tpu.memory_space<vmem>>, vector<1x128x16xf32>
    %get3A_675 = vector.shape_cast %get3A_674 : vector<1x128x16xf32> to vector<128x16xf32>
    %convert_element_type3A_676 = arith.truncf %max3A_670 : vector<1x128xf32> to vector<1x128xbf16>
    %convert_element_type3A_677 = arith.truncf %get3A_675 : vector<128x16xf32> to vector<128x16xbf16>
    %dot_general3A_678 = arith.constant dense<0.000000e+00> : vector<1x16xf32>
    %dot_general3A_679 = tpu.matmul %convert_element_type3A_676, %convert_element_type3A_677, %dot_general3A_678 {dimension_numbers = #tpu.dot_dimension_numbers<[1], [0], [0], [1], [0, 0, 1, 1], [], []>, transpose_lhs_hint = false} : vector<1x128xbf16>, vector<128x16xbf16>, vector<1x16xf32> -> vector<1x16xf32>
    %get3A_680 = arith.constant 2 : index
    %get3A_681 = arith.constant 0 : index
    %get3A_682 = vector.load %arg29[%get3A_680, %get3A_681] : memref<4x16xf32, #tpu.memory_space<vmem>>, vector<1x16xf32>
    %get3A_683 = vector.shape_cast %get3A_682 : vector<1x16xf32> to vector<16xf32>
    %broadcast_in_dim3A_684 = vector.shape_cast %get3A_683 : vector<16xf32> to vector<1x16xf32>
    %add3A_685 = arith.addf %dot_general3A_679, %broadcast_in_dim3A_684 : vector<1x16xf32>
    %get3A_686 = arith.constant 3 : index
    %get3A_687 = arith.constant 0 : index
    %get3A_688 = arith.constant 0 : index
    %get3A_689 = vector.load %arg20[%get3A_686, %get3A_687, %get3A_688] : memref<4x128x128xf32, #tpu.memory_space<vmem>>, vector<1x128x128xf32>
    %get3A_690 = vector.shape_cast %get3A_689 : vector<1x128x128xf32> to vector<128x128xf32>
    %convert_element_type3A_691 = arith.truncf %div3A_238 : vector<1x128xf32> to vector<1x128xbf16>
    %convert_element_type3A_692 = arith.truncf %get3A_690 : vector<128x128xf32> to vector<128x128xbf16>
    %dot_general3A_693 = arith.constant dense<0.000000e+00> : vector<1x128xf32>
    %dot_general3A_694 = tpu.matmul %convert_element_type3A_691, %convert_element_type3A_692, %dot_general3A_693 {dimension_numbers = #tpu.dot_dimension_numbers<[1], [0], [0], [1], [0, 0, 1, 1], [], []>, transpose_lhs_hint = false} : vector<1x128xbf16>, vector<128x128xbf16>, vector<1x128xf32> -> vector<1x128xf32>
    %get3A_695 = arith.constant 3 : index
    %get3A_696 = arith.constant 0 : index
    %get3A_697 = vector.load %arg21[%get3A_695, %get3A_696] : memref<4x128xf32, #tpu.memory_space<vmem>>, vector<1x128xf32>
    %get3A_698 = vector.shape_cast %get3A_697 : vector<1x128xf32> to vector<128xf32>
    %broadcast_in_dim3A_699 = vector.shape_cast %get3A_698 : vector<128xf32> to vector<1x128xf32>
    %add3A_700 = arith.addf %dot_general3A_694, %broadcast_in_dim3A_699 : vector<1x128xf32>
    %get3A_701 = arith.constant 3 : index
    %get3A_702 = arith.constant 0 : index
    %get3A_703 = vector.load %arg22[%get3A_701, %get3A_702] : memref<4x128xf32, #tpu.memory_space<vmem>>, vector<1x128xf32>
    %get3A_704 = vector.shape_cast %get3A_703 : vector<1x128xf32> to vector<128xf32>
    %get3A_705 = arith.constant 3 : index
    %get3A_706 = arith.constant 0 : index
    %get3A_707 = vector.load %arg23[%get3A_705, %get3A_706] : memref<4x128xf32, #tpu.memory_space<vmem>>, vector<1x128xf32>
    %get3A_708 = vector.shape_cast %get3A_707 : vector<1x128xf32> to vector<128xf32>
    %reduce_sum3A_709 = arith.constant dense<0.000000e+00> : vector<1xf32>
    %reduce_sum3A_710 = vector.multi_reduction <add>, %add3A_700, %reduce_sum3A_709 [1] : vector<1x128xf32> to vector<1xf32>
    %broadcast_in_dim3A_711 = vector.shape_cast %reduce_sum3A_710 : vector<1xf32> to vector<1x1xf32>
    %div3A_712 = arith.constant 1.280000e+02 : f32
    %div3A_713 = vector.broadcast %div3A_712 : f32 to vector<1x1xf32>
    %div3A_714 = arith.divf %broadcast_in_dim3A_711, %div3A_713 : vector<1x1xf32>
    %jit3A_715 = arith.constant 0 : i32
    %reduce_sum3A_716 = arith.constant dense<0.000000e+00> : vector<1xf32>
    %reduce_sum3A_717 = vector.multi_reduction <add>, %add3A_700, %reduce_sum3A_716 [1] : vector<1x128xf32> to vector<1xf32>
    %broadcast_in_dim3A_718 = vector.shape_cast %reduce_sum3A_717 : vector<1xf32> to vector<1x1xf32>
    %div3A_719 = arith.constant 1.280000e+02 : f32
    %div3A_720 = vector.broadcast %div3A_719 : f32 to vector<1x1xf32>
    %div3A_721 = arith.divf %broadcast_in_dim3A_718, %div3A_720 : vector<1x1xf32>
    %sub3A_722 = vector.broadcast %div3A_721 : vector<1x1xf32> to vector<1x128xf32>
    %sub3A_723 = arith.subf %add3A_700, %sub3A_722 : vector<1x128xf32>
    %square3A_724 = arith.mulf %sub3A_723, %sub3A_723 : vector<1x128xf32>
    %convert_element_type3A_725 = arith.sitofp %jit3A_715 : i32 to f32
    %sub3A_726 = arith.constant 1.280000e+02 : f32
    %sub3A_727 = arith.subf %sub3A_726, %convert_element_type3A_725 : f32
    %reduce_sum3A_728 = arith.constant dense<0.000000e+00> : vector<1xf32>
    %reduce_sum3A_729 = vector.multi_reduction <add>, %square3A_724, %reduce_sum3A_728 [1] : vector<1x128xf32> to vector<1xf32>
    %broadcast_in_dim3A_730 = vector.shape_cast %reduce_sum3A_729 : vector<1xf32> to vector<1x1xf32>
    %div3A_731 = vector.broadcast %sub3A_727 : f32 to vector<1x1xf32>
    %div3A_732 = arith.divf %broadcast_in_dim3A_730, %div3A_731 : vector<1x1xf32>
    %gt3A_733 = arith.constant 0.000000e+00 : f32
    %gt3A_734 = arith.cmpf ogt, %sub3A_727, %gt3A_733 : f32
    %jit3A_735 = arith.constant 0x7FC00000 : f32
    %broadcast_in_dim3A_736 = vector.broadcast %jit3A_735 : f32 to vector<1x1xf32>
    %select_n3A_737 = arith.select %gt3A_734, %div3A_732, %broadcast_in_dim3A_736 : vector<1x1xf32>
    %sub3A_738 = vector.broadcast %div3A_714 : vector<1x1xf32> to vector<1x128xf32>
    %sub3A_739 = arith.subf %add3A_700, %sub3A_738 : vector<1x128xf32>
    %add3A_740 = arith.constant 9.99999974E-6 : f32
    %add3A_741 = vector.broadcast %add3A_740 : f32 to vector<1x1xf32>
    %add3A_742 = arith.addf %select_n3A_737, %add3A_741 : vector<1x1xf32>
    %sqrt3A_743 = math.sqrt %add3A_742 : vector<1x1xf32>
    %div3A_744 = vector.broadcast %sqrt3A_743 : vector<1x1xf32> to vector<1x128xf32>
    %div3A_745 = arith.divf %sub3A_739, %div3A_744 : vector<1x128xf32>
    %broadcast_in_dim3A_746 = vector.shape_cast %get3A_704 : vector<128xf32> to vector<1x128xf32>
    %mul3A_747 = arith.mulf %div3A_745, %broadcast_in_dim3A_746 : vector<1x128xf32>
    %broadcast_in_dim3A_748 = vector.shape_cast %get3A_708 : vector<128xf32> to vector<1x128xf32>
    %add3A_749 = arith.addf %mul3A_747, %broadcast_in_dim3A_748 : vector<1x128xf32>
    %max3A_750 = arith.constant 0.000000e+00 : f32
    %max3A_751 = vector.broadcast %max3A_750 : f32 to vector<1x128xf32>
    %max3A_752 = arith.maximumf %add3A_749, %max3A_751 : vector<1x128xf32>
    %get3A_753 = arith.constant 3 : index
    %get3A_754 = arith.constant 0 : index
    %get3A_755 = arith.constant 0 : index
    %get3A_756 = vector.load %arg24[%get3A_753, %get3A_754, %get3A_755] : memref<4x128x128xf32, #tpu.memory_space<vmem>>, vector<1x128x128xf32>
    %get3A_757 = vector.shape_cast %get3A_756 : vector<1x128x128xf32> to vector<128x128xf32>
    %convert_element_type3A_758 = arith.truncf %max3A_752 : vector<1x128xf32> to vector<1x128xbf16>
    %convert_element_type3A_759 = arith.truncf %get3A_757 : vector<128x128xf32> to vector<128x128xbf16>
    %dot_general3A_760 = arith.constant dense<0.000000e+00> : vector<1x128xf32>
    %dot_general3A_761 = tpu.matmul %convert_element_type3A_758, %convert_element_type3A_759, %dot_general3A_760 {dimension_numbers = #tpu.dot_dimension_numbers<[1], [0], [0], [1], [0, 0, 1, 1], [], []>, transpose_lhs_hint = false} : vector<1x128xbf16>, vector<128x128xbf16>, vector<1x128xf32> -> vector<1x128xf32>
    %get3A_762 = arith.constant 3 : index
    %get3A_763 = arith.constant 0 : index
    %get3A_764 = vector.load %arg25[%get3A_762, %get3A_763] : memref<4x128xf32, #tpu.memory_space<vmem>>, vector<1x128xf32>
    %get3A_765 = vector.shape_cast %get3A_764 : vector<1x128xf32> to vector<128xf32>
    %broadcast_in_dim3A_766 = vector.shape_cast %get3A_765 : vector<128xf32> to vector<1x128xf32>
    %add3A_767 = arith.addf %dot_general3A_761, %broadcast_in_dim3A_766 : vector<1x128xf32>
    %get3A_768 = arith.constant 3 : index
    %get3A_769 = arith.constant 0 : index
    %get3A_770 = vector.load %arg26[%get3A_768, %get3A_769] : memref<4x128xf32, #tpu.memory_space<vmem>>, vector<1x128xf32>
    %get3A_771 = vector.shape_cast %get3A_770 : vector<1x128xf32> to vector<128xf32>
    %get3A_772 = arith.constant 3 : index
    %get3A_773 = arith.constant 0 : index
    %get3A_774 = vector.load %arg27[%get3A_772, %get3A_773] : memref<4x128xf32, #tpu.memory_space<vmem>>, vector<1x128xf32>
    %get3A_775 = vector.shape_cast %get3A_774 : vector<1x128xf32> to vector<128xf32>
    %reduce_sum3A_776 = arith.constant dense<0.000000e+00> : vector<1xf32>
    %reduce_sum3A_777 = vector.multi_reduction <add>, %add3A_767, %reduce_sum3A_776 [1] : vector<1x128xf32> to vector<1xf32>
    %broadcast_in_dim3A_778 = vector.shape_cast %reduce_sum3A_777 : vector<1xf32> to vector<1x1xf32>
    %div3A_779 = arith.constant 1.280000e+02 : f32
    %div3A_780 = vector.broadcast %div3A_779 : f32 to vector<1x1xf32>
    %div3A_781 = arith.divf %broadcast_in_dim3A_778, %div3A_780 : vector<1x1xf32>
    %jit3A_782 = arith.constant 0 : i32
    %reduce_sum3A_783 = arith.constant dense<0.000000e+00> : vector<1xf32>
    %reduce_sum3A_784 = vector.multi_reduction <add>, %add3A_767, %reduce_sum3A_783 [1] : vector<1x128xf32> to vector<1xf32>
    %broadcast_in_dim3A_785 = vector.shape_cast %reduce_sum3A_784 : vector<1xf32> to vector<1x1xf32>
    %div3A_786 = arith.constant 1.280000e+02 : f32
    %div3A_787 = vector.broadcast %div3A_786 : f32 to vector<1x1xf32>
    %div3A_788 = arith.divf %broadcast_in_dim3A_785, %div3A_787 : vector<1x1xf32>
    %sub3A_789 = vector.broadcast %div3A_788 : vector<1x1xf32> to vector<1x128xf32>
    %sub3A_790 = arith.subf %add3A_767, %sub3A_789 : vector<1x128xf32>
    %square3A_791 = arith.mulf %sub3A_790, %sub3A_790 : vector<1x128xf32>
    %convert_element_type3A_792 = arith.sitofp %jit3A_782 : i32 to f32
    %sub3A_793 = arith.constant 1.280000e+02 : f32
    %sub3A_794 = arith.subf %sub3A_793, %convert_element_type3A_792 : f32
    %reduce_sum3A_795 = arith.constant dense<0.000000e+00> : vector<1xf32>
    %reduce_sum3A_796 = vector.multi_reduction <add>, %square3A_791, %reduce_sum3A_795 [1] : vector<1x128xf32> to vector<1xf32>
    %broadcast_in_dim3A_797 = vector.shape_cast %reduce_sum3A_796 : vector<1xf32> to vector<1x1xf32>
    %div3A_798 = vector.broadcast %sub3A_794 : f32 to vector<1x1xf32>
    %div3A_799 = arith.divf %broadcast_in_dim3A_797, %div3A_798 : vector<1x1xf32>
    %gt3A_800 = arith.constant 0.000000e+00 : f32
    %gt3A_801 = arith.cmpf ogt, %sub3A_794, %gt3A_800 : f32
    %jit3A_802 = arith.constant 0x7FC00000 : f32
    %broadcast_in_dim3A_803 = vector.broadcast %jit3A_802 : f32 to vector<1x1xf32>
    %select_n3A_804 = arith.select %gt3A_801, %div3A_799, %broadcast_in_dim3A_803 : vector<1x1xf32>
    %sub3A_805 = vector.broadcast %div3A_781 : vector<1x1xf32> to vector<1x128xf32>
    %sub3A_806 = arith.subf %add3A_767, %sub3A_805 : vector<1x128xf32>
    %add3A_807 = arith.constant 9.99999974E-6 : f32
    %add3A_808 = vector.broadcast %add3A_807 : f32 to vector<1x1xf32>
    %add3A_809 = arith.addf %select_n3A_804, %add3A_808 : vector<1x1xf32>
    %sqrt3A_810 = math.sqrt %add3A_809 : vector<1x1xf32>
    %div3A_811 = vector.broadcast %sqrt3A_810 : vector<1x1xf32> to vector<1x128xf32>
    %div3A_812 = arith.divf %sub3A_806, %div3A_811 : vector<1x128xf32>
    %broadcast_in_dim3A_813 = vector.shape_cast %get3A_771 : vector<128xf32> to vector<1x128xf32>
    %mul3A_814 = arith.mulf %div3A_812, %broadcast_in_dim3A_813 : vector<1x128xf32>
    %broadcast_in_dim3A_815 = vector.shape_cast %get3A_775 : vector<128xf32> to vector<1x128xf32>
    %add3A_816 = arith.addf %mul3A_814, %broadcast_in_dim3A_815 : vector<1x128xf32>
    %max3A_817 = arith.constant 0.000000e+00 : f32
    %max3A_818 = vector.broadcast %max3A_817 : f32 to vector<1x128xf32>
    %max3A_819 = arith.maximumf %add3A_816, %max3A_818 : vector<1x128xf32>
    %get3A_820 = arith.constant 3 : index
    %get3A_821 = arith.constant 0 : index
    %get3A_822 = arith.constant 0 : index
    %get3A_823 = vector.load %arg28[%get3A_820, %get3A_821, %get3A_822] : memref<4x128x16xf32, #tpu.memory_space<vmem>>, vector<1x128x16xf32>
    %get3A_824 = vector.shape_cast %get3A_823 : vector<1x128x16xf32> to vector<128x16xf32>
    %convert_element_type3A_825 = arith.truncf %max3A_819 : vector<1x128xf32> to vector<1x128xbf16>
    %convert_element_type3A_826 = arith.truncf %get3A_824 : vector<128x16xf32> to vector<128x16xbf16>
    %dot_general3A_827 = arith.constant dense<0.000000e+00> : vector<1x16xf32>
    %dot_general3A_828 = tpu.matmul %convert_element_type3A_825, %convert_element_type3A_826, %dot_general3A_827 {dimension_numbers = #tpu.dot_dimension_numbers<[1], [0], [0], [1], [0, 0, 1, 1], [], []>, transpose_lhs_hint = false} : vector<1x128xbf16>, vector<128x16xbf16>, vector<1x16xf32> -> vector<1x16xf32>
    %get3A_829 = arith.constant 3 : index
    %get3A_830 = arith.constant 0 : index
    %get3A_831 = vector.load %arg29[%get3A_829, %get3A_830] : memref<4x16xf32, #tpu.memory_space<vmem>>, vector<1x16xf32>
    %get3A_832 = vector.shape_cast %get3A_831 : vector<1x16xf32> to vector<16xf32>
    %broadcast_in_dim3A_833 = vector.shape_cast %get3A_832 : vector<16xf32> to vector<1x16xf32>
    %add3A_834 = arith.addf %dot_general3A_828, %broadcast_in_dim3A_833 : vector<1x16xf32>
    %broadcast_in_dim3A_835 = arith.constant 0.000000e+00 : f32
    %broadcast_in_dim3A_836 = vector.broadcast %broadcast_in_dim3A_835 : f32 to vector<1x1xf32>
    %slice3A = vector.extract_strided_slice %add3A_387 {offsets = [0, 0], sizes = [1, 1], strides = [1, 1]} : vector<1x16xf32> to vector<1x1xf32>
    %slice3A_837 = vector.extract_strided_slice %add3A_536 {offsets = [0, 0], sizes = [1, 1], strides = [1, 1]} : vector<1x16xf32> to vector<1x1xf32>
    %concatenate3A = tpu.concatenate %slice3A, %broadcast_in_dim3A_836, %slice3A_837 in 1 : vector<1x1xf32>, vector<1x1xf32>, vector<1x1xf32> -> vector<1x3xf32>
    %swap3A_838 = arith.constant 0 : index
    %swap3A_839 = arith.constant 0 : index
    %swap3A_840 = arith.constant 0 : index
    %swap3A_841 = vector.load %arg31[%swap3A_838, %swap3A_839, %swap3A_840] : memref<1x1x3xf32, #tpu.memory_space<vmem>>, vector<1x1x3xf32>
    %swap3A_842 = vector.shape_cast %swap3A_841 : vector<1x1x3xf32> to vector<1x3xf32>
    %swap3A_843 = vector.shape_cast %concatenate3A : vector<1x3xf32> to vector<1x1x3xf32>
    tpu.vector_store %arg31[%swap3A_838, %swap3A_839, %swap3A_840], %swap3A_843 {strides = array<i32>} : memref<1x1x3xf32, #tpu.memory_space<vmem>>, vector<1x1x3xf32>,
    %swap3A_844 = arith.constant 0 : index
    %swap3A_845 = arith.constant 0 : index
    %swap3A_846 = arith.constant 0 : index
    %swap3A_847 = vector.load %arg32[%swap3A_844, %swap3A_845, %swap3A_846] : memref<1x1x16xf32, #tpu.memory_space<vmem>>, vector<1x1x16xf32>
    %swap3A_848 = vector.shape_cast %swap3A_847 : vector<1x1x16xf32> to vector<1x16xf32>
    %swap3A_849 = vector.shape_cast %add3A_685 : vector<1x16xf32> to vector<1x1x16xf32>
    tpu.vector_store %arg32[%swap3A_844, %swap3A_845, %swap3A_846], %swap3A_849 {strides = array<i32>} : memref<1x1x16xf32, #tpu.memory_space<vmem>>, vector<1x1x16xf32>,
    %slice3A_850 = vector.extract_strided_slice %add3A_834 {offsets = [0, 0], sizes = [1, 4], strides = [1, 1]} : vector<1x16xf32> to vector<1x4xf32>
    %swap3A_851 = arith.constant 0 : index
    %swap3A_852 = arith.constant 0 : index
    %swap3A_853 = arith.constant 0 : index
    %swap3A_854 = vector.load %arg33[%swap3A_851, %swap3A_852, %swap3A_853] : memref<1x1x4xf32, #tpu.memory_space<vmem>>, vector<1x1x4xf32>
    %swap3A_855 = vector.shape_cast %swap3A_854 : vector<1x1x4xf32> to vector<1x4xf32>
    %swap3A_856 = vector.shape_cast %slice3A_850 : vector<1x4xf32> to vector<1x1x4xf32>
    tpu.vector_store %arg33[%swap3A_851, %swap3A_852, %swap3A_853], %swap3A_856 {strides = array<i32>} : memref<1x1x4xf32, #tpu.memory_space<vmem>>, vector<1x1x4xf32>,
    return
  }
  func.func @transform_0(%arg0: i32) -> (i32, i32, i32, i32) {
    %c0_i32 = arith.constant 0 : i32
    %c0_i32_0 = arith.constant 0 : i32
    %c0_i32_1 = arith.constant 0 : i32
    %c0_i32_2 = arith.constant 0 : i32
    return %c0_i32, %arg0, %c0_i32_0, %c0_i32_1 : i32, i32, i32, i32
  }
  func.func @transform_1(%arg0: i32) -> (i32, i32, i32) {
    %c0_i32 = arith.constant 0 : i32
    %c0_i32_0 = arith.constant 0 : i32
    %c0_i32_1 = arith.constant 0 : i32
    return %arg0, %c0_i32, %c0_i32_0 : i32, i32, i32
  }
  func.func @transform_2(%arg0: i32) -> (i32, i32) {
    %c0_i32 = arith.constant 0 : i32
    %c0_i32_0 = arith.constant 0 : i32
    %c0_i32_1 = arith.constant 0 : i32
    return %c0_i32, %c0_i32_0 : i32, i32
  }
  func.func @transform_3(%arg0: i32) -> (i32, i32) {
    %c0_i32 = arith.constant 0 : i32
    %c0_i32_0 = arith.constant 0 : i32
    %c0_i32_1 = arith.constant 0 : i32
    return %c0_i32, %c0_i32_0 : i32, i32
  }
  func.func @transform_4(%arg0: i32) -> (i32, i32) {
    %c0_i32 = arith.constant 0 : i32
    %c0_i32_0 = arith.constant 0 : i32
    %c0_i32_1 = arith.constant 0 : i32
    return %c0_i32, %c0_i32_0 : i32, i32
  }
  func.func @transform_5(%arg0: i32) -> (i32, i32) {
    %c0_i32 = arith.constant 0 : i32
    %c0_i32_0 = arith.constant 0 : i32
    %c0_i32_1 = arith.constant 0 : i32
    return %c0_i32, %c0_i32_0 : i32, i32
  }
  func.func @transform_6(%arg0: i32) -> (i32, i32) {
    %c0_i32 = arith.constant 0 : i32
    %c0_i32_0 = arith.constant 0 : i32
    %c0_i32_1 = arith.constant 0 : i32
    return %c0_i32, %c0_i32_0 : i32, i32
  }
  func.func @transform_7(%arg0: i32) -> (i32, i32) {
    %c0_i32 = arith.constant 0 : i32
    %c0_i32_0 = arith.constant 0 : i32
    %c0_i32_1 = arith.constant 0 : i32
    return %c0_i32, %c0_i32_0 : i32, i32
  }
  func.func @transform_8(%arg0: i32) -> (i32, i32) {
    %c0_i32 = arith.constant 0 : i32
    %c0_i32_0 = arith.constant 0 : i32
    %c0_i32_1 = arith.constant 0 : i32
    return %c0_i32, %c0_i32_0 : i32, i32
  }
  func.func @transform_9(%arg0: i32) -> (i32, i32) {
    %c0_i32 = arith.constant 0 : i32
    %c0_i32_0 = arith.constant 0 : i32
    %c0_i32_1 = arith.constant 0 : i32
    return %c0_i32, %c0_i32_0 : i32, i32
  }
  func.func @transform_10(%arg0: i32) -> (i32, i32) {
    %c0_i32 = arith.constant 0 : i32
    %c0_i32_0 = arith.constant 0 : i32
    %c0_i32_1 = arith.constant 0 : i32
    return %c0_i32, %c0_i32_0 : i32, i32
  }
  func.func @transform_11(%arg0: i32) -> (i32, i32) {
    %c0_i32 = arith.constant 0 : i32
    %c0_i32_0 = arith.constant 0 : i32
    %c0_i32_1 = arith.constant 0 : i32
    return %c0_i32, %c0_i32_0 : i32, i32
  }
  func.func @transform_12(%arg0: i32) -> (i32, i32) {
    %c0_i32 = arith.constant 0 : i32
    %c0_i32_0 = arith.constant 0 : i32
    %c0_i32_1 = arith.constant 0 : i32
    return %c0_i32, %c0_i32_0 : i32, i32
  }
  func.func @transform_13(%arg0: i32) -> (i32, i32) {
    %c0_i32 = arith.constant 0 : i32
    %c0_i32_0 = arith.constant 0 : i32
    %c0_i32_1 = arith.constant 0 : i32
    return %c0_i32, %c0_i32_0 : i32, i32
  }
  func.func @transform_14(%arg0: i32) -> (i32, i32) {
    %c0_i32 = arith.constant 0 : i32
    %c0_i32_0 = arith.constant 0 : i32
    %c0_i32_1 = arith.constant 0 : i32
    return %c0_i32, %c0_i32_0 : i32, i32
  }
  func.func @transform_15(%arg0: i32) -> (i32, i32) {
    %c0_i32 = arith.constant 0 : i32
    %c0_i32_0 = arith.constant 0 : i32
    %c0_i32_1 = arith.constant 0 : i32
    return %c0_i32, %c0_i32_0 : i32, i32
  }
  func.func @transform_16(%arg0: i32) -> (i32, i32) {
    %c0_i32 = arith.constant 0 : i32
    %c0_i32_0 = arith.constant 0 : i32
    %c0_i32_1 = arith.constant 0 : i32
    return %c0_i32, %c0_i32_0 : i32, i32
  }
  func.func @transform_17(%arg0: i32) -> (i32, i32) {
    %c0_i32 = arith.constant 0 : i32
    %c0_i32_0 = arith.constant 0 : i32
    %c0_i32_1 = arith.constant 0 : i32
    return %c0_i32, %c0_i32_0 : i32, i32
  }
  func.func @transform_18(%arg0: i32) -> (i32, i32) {
    %c0_i32 = arith.constant 0 : i32
    %c0_i32_0 = arith.constant 0 : i32
    %c0_i32_1 = arith.constant 0 : i32
    return %c0_i32, %c0_i32_0 : i32, i32
  }
  func.func @transform_19(%arg0: i32) -> (i32, i32, i32) {
    %c0_i32 = arith.constant 0 : i32
    %c0_i32_0 = arith.constant 0 : i32
    %c0_i32_1 = arith.constant 0 : i32
    %c0_i32_2 = arith.constant 0 : i32
    return %c0_i32, %c0_i32_0, %c0_i32_1 : i32, i32, i32
  }
  func.func @transform_20(%arg0: i32) -> (i32, i32) {
    %c0_i32 = arith.constant 0 : i32
    %c0_i32_0 = arith.constant 0 : i32
    %c0_i32_1 = arith.constant 0 : i32
    return %c0_i32, %c0_i32_0 : i32, i32
  }
  func.func @transform_21(%arg0: i32) -> (i32, i32) {
    %c0_i32 = arith.constant 0 : i32
    %c0_i32_0 = arith.constant 0 : i32
    %c0_i32_1 = arith.constant 0 : i32
    return %c0_i32, %c0_i32_0 : i32, i32
  }
  func.func @transform_22(%arg0: i32) -> (i32, i32) {
    %c0_i32 = arith.constant 0 : i32
    %c0_i32_0 = arith.constant 0 : i32
    %c0_i32_1 = arith.constant 0 : i32
    return %c0_i32, %c0_i32_0 : i32, i32
  }
  func.func @transform_23(%arg0: i32) -> (i32, i32, i32) {
    %c0_i32 = arith.constant 0 : i32
    %c0_i32_0 = arith.constant 0 : i32
    %c0_i32_1 = arith.constant 0 : i32
    %c0_i32_2 = arith.constant 0 : i32
    return %c0_i32, %c0_i32_0, %c0_i32_1 : i32, i32, i32
  }
  func.func @transform_24(%arg0: i32) -> (i32, i32) {
    %c0_i32 = arith.constant 0 : i32
    %c0_i32_0 = arith.constant 0 : i32
    %c0_i32_1 = arith.constant 0 : i32
    return %c0_i32, %c0_i32_0 : i32, i32
  }
  func.func @transform_25(%arg0: i32) -> (i32, i32) {
    %c0_i32 = arith.constant 0 : i32
    %c0_i32_0 = arith.constant 0 : i32
    %c0_i32_1 = arith.constant 0 : i32
    return %c0_i32, %c0_i32_0 : i32, i32
  }
  func.func @transform_26(%arg0: i32) -> (i32, i32) {
    %c0_i32 = arith.constant 0 : i32
    %c0_i32_0 = arith.constant 0 : i32
    %c0_i32_1 = arith.constant 0 : i32
    return %c0_i32, %c0_i32_0 : i32, i32
  }
  func.func @transform_27(%arg0: i32) -> (i32, i32, i32) {
    %c0_i32 = arith.constant 0 : i32
    %c0_i32_0 = arith.constant 0 : i32
    %c0_i32_1 = arith.constant 0 : i32
    %c0_i32_2 = arith.constant 0 : i32
    return %c0_i32, %c0_i32_0, %c0_i32_1 : i32, i32, i32
  }
  func.func @transform_28(%arg0: i32) -> (i32, i32) {
    %c0_i32 = arith.constant 0 : i32
    %c0_i32_0 = arith.constant 0 : i32
    %c0_i32_1 = arith.constant 0 : i32
    return %c0_i32, %c0_i32_0 : i32, i32
  }
  func.func @transform_29(%arg0: i32) -> (i32, i32, i32) {
    %c0_i32 = arith.constant 0 : i32
    %c0_i32_0 = arith.constant 0 : i32
    %c0_i32_1 = arith.constant 0 : i32
    return %arg0, %c0_i32, %c0_i32_0 : i32, i32, i32
  }
  func.func @transform_30(%arg0: i32) -> (i32, i32, i32) {
    %c0_i32 = arith.constant 0 : i32
    %c0_i32_0 = arith.constant 0 : i32
    %c0_i32_1 = arith.constant 0 : i32
    return %arg0, %c0_i32, %c0_i32_0 : i32, i32, i32
  }
  func.func @transform_31(%arg0: i32) -> (i32, i32, i32) {
    %c0_i32 = arith.constant 0 : i32
    %c0_i32_0 = arith.constant 0 : i32
    %c0_i32_1 = arith.constant 0 : i32
    return %arg0, %c0_i32, %c0_i32_0 : i32, i32, i32
  }
  func.func @transform_32(%arg0: i32) -> (i32, i32, i32) {
    %c0_i32 = arith.constant 0 : i32
    %c0_i32_0 = arith.constant 0 : i32
    %c0_i32_1 = arith.constant 0 : i32
    return %arg0, %c0_i32, %c0_i32_0 : i32, i32, i32
  }
}

module attributes {stable_mosaic.version = 14 : i64} {
  func.func @_extract_body(%arg0: i32, %arg1: memref<8x10x1x5x1408xf32, #tpu.memory_space<vmem>>, %arg2: memref<8x781952xf32, #tpu.memory_space<vmem>>) attributes {dimension_semantics = [#tpu.dimension_semantics<arbitrary>], iteration_bounds = array<i64: 25>, scalar_prefetch = 0 : i64, scratch_operands = 0 : i64, tpu.core_type = #tpu.core_type<tc>, window_params = [{transform_indices = @transform_0, window_bounds = array<i64: 8, 10, 1, 5, 1408>}, {pipeline_mode = #tpu.pipeline_mode<synchronous>, transform_indices = @transform_1, window_bounds = array<i64: 8, 781952>}]} {
    %mul3A = arith.constant 5 : i32
    %mul3A_0 = arith.muli %arg0, %mul3A : i32
    %iota3A = tpu.iota {dimensions = array<i32: 1>} : vector<8x1408xi32>
    %scan3A = arith.constant 0 : i32
    %scan3A_1 = arith.constant 5 : i32
    %scan3A_2 = arith.addi %scan3A, %scan3A_1 : i32
    %scan3A_3 = arith.constant 1 : i32
    scf.for %scan3A_5 = %scan3A to %scan3A_2 step %scan3A_3  : i32 {
      %add3A = arith.addi %mul3A_0, %scan3A_5 : i32
      %add3A_6 = arith.constant 0 : i32
      %add3A_7 = arith.addi %add3A_6, %add3A : i32
      %get3A = arith.constant 0 : index
      %get3A_8 = arith.constant 0 : index
      %get3A_9 = arith.constant 0 : index
      %get3A_10 = arith.index_cast %scan3A_5 : i32 to index
      %get3A_11 = arith.constant 0 : index
      %get3A_12 = vector.load %arg1[%get3A, %get3A_8, %get3A_9, %get3A_10, %get3A_11] : memref<8x10x1x5x1408xf32, #tpu.memory_space<vmem>>, vector<8x1x1x1x1408xf32>
      %get3A_13 = vector.shape_cast %get3A_12 : vector<8x1x1x1x1408xf32> to vector<8x1408xf32>
      %mul3A_14 = arith.constant 1249 : i32
      %mul3A_15 = arith.muli %add3A_7, %mul3A_14 : i32
      %sub3A = arith.constant 1 : i32
      %sub3A_16 = arith.subi %add3A_7, %sub3A : i32
      %mul3A_17 = arith.muli %add3A_7, %sub3A_16 : i32
      %jit3A = arith.constant 2 : i32
      %div3A = arith.divsi %mul3A_17, %jit3A : i32
      %sign3A = arith.constant 0 : i32
      %sign3A_18 = arith.cmpi sgt, %mul3A_17, %sign3A : i32
      %sign3A_19 = arith.extui %sign3A_18 : i1 to i32
      %sign3A_20 = arith.constant 0 : i32
      %sign3A_21 = arith.cmpi slt, %mul3A_17, %sign3A_20 : i32
      %sign3A_22 = arith.extui %sign3A_21 : i1 to i32
      %sign3A_23 = arith.subi %sign3A_19, %sign3A_22 : i32
      %sign3A_24 = arith.constant 0 : i32
      %sign3A_25 = arith.cmpi sgt, %jit3A, %sign3A_24 : i32
      %sign3A_26 = arith.extui %sign3A_25 : i1 to i32
      %sign3A_27 = arith.constant 0 : i32
      %sign3A_28 = arith.cmpi slt, %jit3A, %sign3A_27 : i32
      %sign3A_29 = arith.extui %sign3A_28 : i1 to i32
      %sign3A_30 = arith.subi %sign3A_26, %sign3A_29 : i32
      %ne3A = arith.cmpi ne, %sign3A_23, %sign3A_30 : i32
      %rem3A = arith.remsi %mul3A_17, %jit3A : i32
      %ne3A_31 = arith.constant 0 : i32
      %ne3A_32 = arith.cmpi ne, %rem3A, %ne3A_31 : i32
      %and3A = arith.andi %ne3A, %ne3A_32 : i1
      %sub3A_33 = arith.constant 1 : i32
      %sub3A_34 = arith.subi %div3A, %sub3A_33 : i32
      %select_n3A = arith.select %and3A, %sub3A_34, %div3A : i32
      %sub3A_35 = arith.subi %mul3A_15, %select_n3A : i32
      %jit3A_36 = arith.constant 128 : i32
      %div3A_37 = arith.divsi %sub3A_35, %jit3A_36 : i32
      %sign3A_38 = arith.constant 0 : i32
      %sign3A_39 = arith.cmpi sgt, %sub3A_35, %sign3A_38 : i32
      %sign3A_40 = arith.extui %sign3A_39 : i1 to i32
      %sign3A_41 = arith.constant 0 : i32
      %sign3A_42 = arith.cmpi slt, %sub3A_35, %sign3A_41 : i32
      %sign3A_43 = arith.extui %sign3A_42 : i1 to i32
      %sign3A_44 = arith.subi %sign3A_40, %sign3A_43 : i32
      %sign3A_45 = arith.constant 0 : i32
      %sign3A_46 = arith.cmpi sgt, %jit3A_36, %sign3A_45 : i32
      %sign3A_47 = arith.extui %sign3A_46 : i1 to i32
      %sign3A_48 = arith.constant 0 : i32
      %sign3A_49 = arith.cmpi slt, %jit3A_36, %sign3A_48 : i32
      %sign3A_50 = arith.extui %sign3A_49 : i1 to i32
      %sign3A_51 = arith.subi %sign3A_47, %sign3A_50 : i32
      %ne3A_52 = arith.cmpi ne, %sign3A_44, %sign3A_51 : i32
      %rem3A_53 = arith.remsi %sub3A_35, %jit3A_36 : i32
      %ne3A_54 = arith.constant 0 : i32
      %ne3A_55 = arith.cmpi ne, %rem3A_53, %ne3A_54 : i32
      %and3A_56 = arith.andi %ne3A_52, %ne3A_55 : i1
      %sub3A_57 = arith.constant 1 : i32
      %sub3A_58 = arith.subi %div3A_37, %sub3A_57 : i32
      %select_n3A_59 = arith.select %and3A_56, %sub3A_58, %div3A_37 : i32
      %mul3A_60 = arith.constant 128 : i32
      %mul3A_61 = arith.muli %select_n3A_59, %mul3A_60 : i32
      %multiple_of3A = tpu.assume_multiple %mul3A_61, 128 : i32
      %sub3A_62 = arith.subi %sub3A_35, %multiple_of3A : i32
      %add3A_63 = arith.constant 1 : i32
      %add3A_64 = arith.addi %add3A_7, %add3A_63 : i32
      %sub3A_65 = arith.subi %add3A_64, %sub3A_62 : i32
      %sub3A_66 = arith.constant 2816 : i32
      %sub3A_67 = arith.subi %sub3A_66, %sub3A_65 : i32
      %rem3A_68 = arith.constant 1408 : i32
      %rem3A_69 = arith.remsi %sub3A_67, %rem3A_68 : i32
      %roll3A = tpu.dynamic_rotate %get3A_13 by %rem3A_69 dim 1 : vector<8x1408xf32>, i32 -> vector<8x1408xf32>
      %get3A_70 = arith.constant 0 : index
      %get3A_71 = arith.index_cast %multiple_of3A : i32 to index
      %get3A_72 = vector.load %arg2[%get3A_70, %get3A_71] : memref<8x781952xf32, #tpu.memory_space<vmem>>, vector<8x1408xf32>
      %ge3A = vector.broadcast %sub3A_62 : i32 to vector<8x1408xi32>
      %ge3A_73 = arith.cmpi sge, %iota3A, %ge3A : vector<8x1408xi32>
      %sub3A_74 = arith.constant 1249 : i32
      %sub3A_75 = arith.subi %sub3A_74, %add3A_7 : i32
      %add3A_76 = arith.addi %sub3A_62, %sub3A_75 : i32
      %lt3A = vector.broadcast %add3A_76 : i32 to vector<8x1408xi32>
      %lt3A_77 = arith.cmpi slt, %iota3A, %lt3A : vector<8x1408xi32>
      %and3A_78 = arith.andi %ge3A_73, %lt3A_77 : vector<8x1408xi1>
      %select_n3A_79 = arith.select %and3A_78, %roll3A, %get3A_72 : vector<8x1408xi1>, vector<8x1408xf32>
      %swap3A = arith.constant 0 : index
      %swap3A_80 = arith.index_cast %multiple_of3A : i32 to index
      %swap3A_81 = vector.load %arg2[%swap3A, %swap3A_80] : memref<8x781952xf32, #tpu.memory_space<vmem>>, vector<8x1408xf32>
      tpu.vector_store %arg2[%swap3A, %swap3A_80], %select_n3A_79 {strides = array<i32>} : memref<8x781952xf32, #tpu.memory_space<vmem>>, vector<8x1408xf32>,
      %add3A_82 = arith.constant 125 : i32
      %add3A_83 = arith.addi %add3A_82, %add3A : i32
      %get3A_84 = arith.constant 0 : index
      %get3A_85 = arith.constant 1 : index
      %get3A_86 = arith.constant 0 : index
      %get3A_87 = arith.index_cast %scan3A_5 : i32 to index
      %get3A_88 = arith.constant 0 : index
      %get3A_89 = vector.load %arg1[%get3A_84, %get3A_85, %get3A_86, %get3A_87, %get3A_88] : memref<8x10x1x5x1408xf32, #tpu.memory_space<vmem>>, vector<8x1x1x1x1408xf32>
      %get3A_90 = vector.shape_cast %get3A_89 : vector<8x1x1x1x1408xf32> to vector<8x1408xf32>
      %mul3A_91 = arith.constant 1249 : i32
      %mul3A_92 = arith.muli %add3A_83, %mul3A_91 : i32
      %sub3A_93 = arith.constant 1 : i32
      %sub3A_94 = arith.subi %add3A_83, %sub3A_93 : i32
      %mul3A_95 = arith.muli %add3A_83, %sub3A_94 : i32
      %jit3A_96 = arith.constant 2 : i32
      %div3A_97 = arith.divsi %mul3A_95, %jit3A_96 : i32
      %sign3A_98 = arith.constant 0 : i32
      %sign3A_99 = arith.cmpi sgt, %mul3A_95, %sign3A_98 : i32
      %sign3A_100 = arith.extui %sign3A_99 : i1 to i32
      %sign3A_101 = arith.constant 0 : i32
      %sign3A_102 = arith.cmpi slt, %mul3A_95, %sign3A_101 : i32
      %sign3A_103 = arith.extui %sign3A_102 : i1 to i32
      %sign3A_104 = arith.subi %sign3A_100, %sign3A_103 : i32
      %sign3A_105 = arith.constant 0 : i32
      %sign3A_106 = arith.cmpi sgt, %jit3A_96, %sign3A_105 : i32
      %sign3A_107 = arith.extui %sign3A_106 : i1 to i32
      %sign3A_108 = arith.constant 0 : i32
      %sign3A_109 = arith.cmpi slt, %jit3A_96, %sign3A_108 : i32
      %sign3A_110 = arith.extui %sign3A_109 : i1 to i32
      %sign3A_111 = arith.subi %sign3A_107, %sign3A_110 : i32
      %ne3A_112 = arith.cmpi ne, %sign3A_104, %sign3A_111 : i32
      %rem3A_113 = arith.remsi %mul3A_95, %jit3A_96 : i32
      %ne3A_114 = arith.constant 0 : i32
      %ne3A_115 = arith.cmpi ne, %rem3A_113, %ne3A_114 : i32
      %and3A_116 = arith.andi %ne3A_112, %ne3A_115 : i1
      %sub3A_117 = arith.constant 1 : i32
      %sub3A_118 = arith.subi %div3A_97, %sub3A_117 : i32
      %select_n3A_119 = arith.select %and3A_116, %sub3A_118, %div3A_97 : i32
      %sub3A_120 = arith.subi %mul3A_92, %select_n3A_119 : i32
      %jit3A_121 = arith.constant 128 : i32
      %div3A_122 = arith.divsi %sub3A_120, %jit3A_121 : i32
      %sign3A_123 = arith.constant 0 : i32
      %sign3A_124 = arith.cmpi sgt, %sub3A_120, %sign3A_123 : i32
      %sign3A_125 = arith.extui %sign3A_124 : i1 to i32
      %sign3A_126 = arith.constant 0 : i32
      %sign3A_127 = arith.cmpi slt, %sub3A_120, %sign3A_126 : i32
      %sign3A_128 = arith.extui %sign3A_127 : i1 to i32
      %sign3A_129 = arith.subi %sign3A_125, %sign3A_128 : i32
      %sign3A_130 = arith.constant 0 : i32
      %sign3A_131 = arith.cmpi sgt, %jit3A_121, %sign3A_130 : i32
      %sign3A_132 = arith.extui %sign3A_131 : i1 to i32
      %sign3A_133 = arith.constant 0 : i32
      %sign3A_134 = arith.cmpi slt, %jit3A_121, %sign3A_133 : i32
      %sign3A_135 = arith.extui %sign3A_134 : i1 to i32
      %sign3A_136 = arith.subi %sign3A_132, %sign3A_135 : i32
      %ne3A_137 = arith.cmpi ne, %sign3A_129, %sign3A_136 : i32
      %rem3A_138 = arith.remsi %sub3A_120, %jit3A_121 : i32
      %ne3A_139 = arith.constant 0 : i32
      %ne3A_140 = arith.cmpi ne, %rem3A_138, %ne3A_139 : i32
      %and3A_141 = arith.andi %ne3A_137, %ne3A_140 : i1
      %sub3A_142 = arith.constant 1 : i32
      %sub3A_143 = arith.subi %div3A_122, %sub3A_142 : i32
      %select_n3A_144 = arith.select %and3A_141, %sub3A_143, %div3A_122 : i32
      %mul3A_145 = arith.constant 128 : i32
      %mul3A_146 = arith.muli %select_n3A_144, %mul3A_145 : i32
      %multiple_of3A_147 = tpu.assume_multiple %mul3A_146, 128 : i32
      %sub3A_148 = arith.subi %sub3A_120, %multiple_of3A_147 : i32
      %add3A_149 = arith.constant 1 : i32
      %add3A_150 = arith.addi %add3A_83, %add3A_149 : i32
      %sub3A_151 = arith.subi %add3A_150, %sub3A_148 : i32
      %sub3A_152 = arith.constant 2816 : i32
      %sub3A_153 = arith.subi %sub3A_152, %sub3A_151 : i32
      %rem3A_154 = arith.constant 1408 : i32
      %rem3A_155 = arith.remsi %sub3A_153, %rem3A_154 : i32
      %roll3A_156 = tpu.dynamic_rotate %get3A_90 by %rem3A_155 dim 1 : vector<8x1408xf32>, i32 -> vector<8x1408xf32>
      %get3A_157 = arith.constant 0 : index
      %get3A_158 = arith.index_cast %multiple_of3A_147 : i32 to index
      %get3A_159 = vector.load %arg2[%get3A_157, %get3A_158] : memref<8x781952xf32, #tpu.memory_space<vmem>>, vector<8x1408xf32>
      %ge3A_160 = vector.broadcast %sub3A_148 : i32 to vector<8x1408xi32>
      %ge3A_161 = arith.cmpi sge, %iota3A, %ge3A_160 : vector<8x1408xi32>
      %sub3A_162 = arith.constant 1249 : i32
      %sub3A_163 = arith.subi %sub3A_162, %add3A_83 : i32
      %add3A_164 = arith.addi %sub3A_148, %sub3A_163 : i32
      %lt3A_165 = vector.broadcast %add3A_164 : i32 to vector<8x1408xi32>
      %lt3A_166 = arith.cmpi slt, %iota3A, %lt3A_165 : vector<8x1408xi32>
      %and3A_167 = arith.andi %ge3A_161, %lt3A_166 : vector<8x1408xi1>
      %select_n3A_168 = arith.select %and3A_167, %roll3A_156, %get3A_159 : vector<8x1408xi1>, vector<8x1408xf32>
      %swap3A_169 = arith.constant 0 : index
      %swap3A_170 = arith.index_cast %multiple_of3A_147 : i32 to index
      %swap3A_171 = vector.load %arg2[%swap3A_169, %swap3A_170] : memref<8x781952xf32, #tpu.memory_space<vmem>>, vector<8x1408xf32>
      tpu.vector_store %arg2[%swap3A_169, %swap3A_170], %select_n3A_168 {strides = array<i32>} : memref<8x781952xf32, #tpu.memory_space<vmem>>, vector<8x1408xf32>,
      %add3A_172 = arith.constant 250 : i32
      %add3A_173 = arith.addi %add3A_172, %add3A : i32
      %get3A_174 = arith.constant 0 : index
      %get3A_175 = arith.constant 2 : index
      %get3A_176 = arith.constant 0 : index
      %get3A_177 = arith.index_cast %scan3A_5 : i32 to index
      %get3A_178 = arith.constant 0 : index
      %get3A_179 = vector.load %arg1[%get3A_174, %get3A_175, %get3A_176, %get3A_177, %get3A_178] : memref<8x10x1x5x1408xf32, #tpu.memory_space<vmem>>, vector<8x1x1x1x1408xf32>
      %get3A_180 = vector.shape_cast %get3A_179 : vector<8x1x1x1x1408xf32> to vector<8x1408xf32>
      %mul3A_181 = arith.constant 1249 : i32
      %mul3A_182 = arith.muli %add3A_173, %mul3A_181 : i32
      %sub3A_183 = arith.constant 1 : i32
      %sub3A_184 = arith.subi %add3A_173, %sub3A_183 : i32
      %mul3A_185 = arith.muli %add3A_173, %sub3A_184 : i32
      %jit3A_186 = arith.constant 2 : i32
      %div3A_187 = arith.divsi %mul3A_185, %jit3A_186 : i32
      %sign3A_188 = arith.constant 0 : i32
      %sign3A_189 = arith.cmpi sgt, %mul3A_185, %sign3A_188 : i32
      %sign3A_190 = arith.extui %sign3A_189 : i1 to i32
      %sign3A_191 = arith.constant 0 : i32
      %sign3A_192 = arith.cmpi slt, %mul3A_185, %sign3A_191 : i32
      %sign3A_193 = arith.extui %sign3A_192 : i1 to i32
      %sign3A_194 = arith.subi %sign3A_190, %sign3A_193 : i32
      %sign3A_195 = arith.constant 0 : i32
      %sign3A_196 = arith.cmpi sgt, %jit3A_186, %sign3A_195 : i32
      %sign3A_197 = arith.extui %sign3A_196 : i1 to i32
      %sign3A_198 = arith.constant 0 : i32
      %sign3A_199 = arith.cmpi slt, %jit3A_186, %sign3A_198 : i32
      %sign3A_200 = arith.extui %sign3A_199 : i1 to i32
      %sign3A_201 = arith.subi %sign3A_197, %sign3A_200 : i32
      %ne3A_202 = arith.cmpi ne, %sign3A_194, %sign3A_201 : i32
      %rem3A_203 = arith.remsi %mul3A_185, %jit3A_186 : i32
      %ne3A_204 = arith.constant 0 : i32
      %ne3A_205 = arith.cmpi ne, %rem3A_203, %ne3A_204 : i32
      %and3A_206 = arith.andi %ne3A_202, %ne3A_205 : i1
      %sub3A_207 = arith.constant 1 : i32
      %sub3A_208 = arith.subi %div3A_187, %sub3A_207 : i32
      %select_n3A_209 = arith.select %and3A_206, %sub3A_208, %div3A_187 : i32
      %sub3A_210 = arith.subi %mul3A_182, %select_n3A_209 : i32
      %jit3A_211 = arith.constant 128 : i32
      %div3A_212 = arith.divsi %sub3A_210, %jit3A_211 : i32
      %sign3A_213 = arith.constant 0 : i32
      %sign3A_214 = arith.cmpi sgt, %sub3A_210, %sign3A_213 : i32
      %sign3A_215 = arith.extui %sign3A_214 : i1 to i32
      %sign3A_216 = arith.constant 0 : i32
      %sign3A_217 = arith.cmpi slt, %sub3A_210, %sign3A_216 : i32
      %sign3A_218 = arith.extui %sign3A_217 : i1 to i32
      %sign3A_219 = arith.subi %sign3A_215, %sign3A_218 : i32
      %sign3A_220 = arith.constant 0 : i32
      %sign3A_221 = arith.cmpi sgt, %jit3A_211, %sign3A_220 : i32
      %sign3A_222 = arith.extui %sign3A_221 : i1 to i32
      %sign3A_223 = arith.constant 0 : i32
      %sign3A_224 = arith.cmpi slt, %jit3A_211, %sign3A_223 : i32
      %sign3A_225 = arith.extui %sign3A_224 : i1 to i32
      %sign3A_226 = arith.subi %sign3A_222, %sign3A_225 : i32
      %ne3A_227 = arith.cmpi ne, %sign3A_219, %sign3A_226 : i32
      %rem3A_228 = arith.remsi %sub3A_210, %jit3A_211 : i32
      %ne3A_229 = arith.constant 0 : i32
      %ne3A_230 = arith.cmpi ne, %rem3A_228, %ne3A_229 : i32
      %and3A_231 = arith.andi %ne3A_227, %ne3A_230 : i1
      %sub3A_232 = arith.constant 1 : i32
      %sub3A_233 = arith.subi %div3A_212, %sub3A_232 : i32
      %select_n3A_234 = arith.select %and3A_231, %sub3A_233, %div3A_212 : i32
      %mul3A_235 = arith.constant 128 : i32
      %mul3A_236 = arith.muli %select_n3A_234, %mul3A_235 : i32
      %multiple_of3A_237 = tpu.assume_multiple %mul3A_236, 128 : i32
      %sub3A_238 = arith.subi %sub3A_210, %multiple_of3A_237 : i32
      %add3A_239 = arith.constant 1 : i32
      %add3A_240 = arith.addi %add3A_173, %add3A_239 : i32
      %sub3A_241 = arith.subi %add3A_240, %sub3A_238 : i32
      %sub3A_242 = arith.constant 2816 : i32
      %sub3A_243 = arith.subi %sub3A_242, %sub3A_241 : i32
      %rem3A_244 = arith.constant 1408 : i32
      %rem3A_245 = arith.remsi %sub3A_243, %rem3A_244 : i32
      %roll3A_246 = tpu.dynamic_rotate %get3A_180 by %rem3A_245 dim 1 : vector<8x1408xf32>, i32 -> vector<8x1408xf32>
      %get3A_247 = arith.constant 0 : index
      %get3A_248 = arith.index_cast %multiple_of3A_237 : i32 to index
      %get3A_249 = vector.load %arg2[%get3A_247, %get3A_248] : memref<8x781952xf32, #tpu.memory_space<vmem>>, vector<8x1408xf32>
      %ge3A_250 = vector.broadcast %sub3A_238 : i32 to vector<8x1408xi32>
      %ge3A_251 = arith.cmpi sge, %iota3A, %ge3A_250 : vector<8x1408xi32>
      %sub3A_252 = arith.constant 1249 : i32
      %sub3A_253 = arith.subi %sub3A_252, %add3A_173 : i32
      %add3A_254 = arith.addi %sub3A_238, %sub3A_253 : i32
      %lt3A_255 = vector.broadcast %add3A_254 : i32 to vector<8x1408xi32>
      %lt3A_256 = arith.cmpi slt, %iota3A, %lt3A_255 : vector<8x1408xi32>
      %and3A_257 = arith.andi %ge3A_251, %lt3A_256 : vector<8x1408xi1>
      %select_n3A_258 = arith.select %and3A_257, %roll3A_246, %get3A_249 : vector<8x1408xi1>, vector<8x1408xf32>
      %swap3A_259 = arith.constant 0 : index
      %swap3A_260 = arith.index_cast %multiple_of3A_237 : i32 to index
      %swap3A_261 = vector.load %arg2[%swap3A_259, %swap3A_260] : memref<8x781952xf32, #tpu.memory_space<vmem>>, vector<8x1408xf32>
      tpu.vector_store %arg2[%swap3A_259, %swap3A_260], %select_n3A_258 {strides = array<i32>} : memref<8x781952xf32, #tpu.memory_space<vmem>>, vector<8x1408xf32>,
      %add3A_262 = arith.constant 375 : i32
      %add3A_263 = arith.addi %add3A_262, %add3A : i32
      %get3A_264 = arith.constant 0 : index
      %get3A_265 = arith.constant 3 : index
      %get3A_266 = arith.constant 0 : index
      %get3A_267 = arith.index_cast %scan3A_5 : i32 to index
      %get3A_268 = arith.constant 0 : index
      %get3A_269 = vector.load %arg1[%get3A_264, %get3A_265, %get3A_266, %get3A_267, %get3A_268] : memref<8x10x1x5x1408xf32, #tpu.memory_space<vmem>>, vector<8x1x1x1x1408xf32>
      %get3A_270 = vector.shape_cast %get3A_269 : vector<8x1x1x1x1408xf32> to vector<8x1408xf32>
      %mul3A_271 = arith.constant 1249 : i32
      %mul3A_272 = arith.muli %add3A_263, %mul3A_271 : i32
      %sub3A_273 = arith.constant 1 : i32
      %sub3A_274 = arith.subi %add3A_263, %sub3A_273 : i32
      %mul3A_275 = arith.muli %add3A_263, %sub3A_274 : i32
      %jit3A_276 = arith.constant 2 : i32
      %div3A_277 = arith.divsi %mul3A_275, %jit3A_276 : i32
      %sign3A_278 = arith.constant 0 : i32
      %sign3A_279 = arith.cmpi sgt, %mul3A_275, %sign3A_278 : i32
      %sign3A_280 = arith.extui %sign3A_279 : i1 to i32
      %sign3A_281 = arith.constant 0 : i32
      %sign3A_282 = arith.cmpi slt, %mul3A_275, %sign3A_281 : i32
      %sign3A_283 = arith.extui %sign3A_282 : i1 to i32
      %sign3A_284 = arith.subi %sign3A_280, %sign3A_283 : i32
      %sign3A_285 = arith.constant 0 : i32
      %sign3A_286 = arith.cmpi sgt, %jit3A_276, %sign3A_285 : i32
      %sign3A_287 = arith.extui %sign3A_286 : i1 to i32
      %sign3A_288 = arith.constant 0 : i32
      %sign3A_289 = arith.cmpi slt, %jit3A_276, %sign3A_288 : i32
      %sign3A_290 = arith.extui %sign3A_289 : i1 to i32
      %sign3A_291 = arith.subi %sign3A_287, %sign3A_290 : i32
      %ne3A_292 = arith.cmpi ne, %sign3A_284, %sign3A_291 : i32
      %rem3A_293 = arith.remsi %mul3A_275, %jit3A_276 : i32
      %ne3A_294 = arith.constant 0 : i32
      %ne3A_295 = arith.cmpi ne, %rem3A_293, %ne3A_294 : i32
      %and3A_296 = arith.andi %ne3A_292, %ne3A_295 : i1
      %sub3A_297 = arith.constant 1 : i32
      %sub3A_298 = arith.subi %div3A_277, %sub3A_297 : i32
      %select_n3A_299 = arith.select %and3A_296, %sub3A_298, %div3A_277 : i32
      %sub3A_300 = arith.subi %mul3A_272, %select_n3A_299 : i32
      %jit3A_301 = arith.constant 128 : i32
      %div3A_302 = arith.divsi %sub3A_300, %jit3A_301 : i32
      %sign3A_303 = arith.constant 0 : i32
      %sign3A_304 = arith.cmpi sgt, %sub3A_300, %sign3A_303 : i32
      %sign3A_305 = arith.extui %sign3A_304 : i1 to i32
      %sign3A_306 = arith.constant 0 : i32
      %sign3A_307 = arith.cmpi slt, %sub3A_300, %sign3A_306 : i32
      %sign3A_308 = arith.extui %sign3A_307 : i1 to i32
      %sign3A_309 = arith.subi %sign3A_305, %sign3A_308 : i32
      %sign3A_310 = arith.constant 0 : i32
      %sign3A_311 = arith.cmpi sgt, %jit3A_301, %sign3A_310 : i32
      %sign3A_312 = arith.extui %sign3A_311 : i1 to i32
      %sign3A_313 = arith.constant 0 : i32
      %sign3A_314 = arith.cmpi slt, %jit3A_301, %sign3A_313 : i32
      %sign3A_315 = arith.extui %sign3A_314 : i1 to i32
      %sign3A_316 = arith.subi %sign3A_312, %sign3A_315 : i32
      %ne3A_317 = arith.cmpi ne, %sign3A_309, %sign3A_316 : i32
      %rem3A_318 = arith.remsi %sub3A_300, %jit3A_301 : i32
      %ne3A_319 = arith.constant 0 : i32
      %ne3A_320 = arith.cmpi ne, %rem3A_318, %ne3A_319 : i32
      %and3A_321 = arith.andi %ne3A_317, %ne3A_320 : i1
      %sub3A_322 = arith.constant 1 : i32
      %sub3A_323 = arith.subi %div3A_302, %sub3A_322 : i32
      %select_n3A_324 = arith.select %and3A_321, %sub3A_323, %div3A_302 : i32
      %mul3A_325 = arith.constant 128 : i32
      %mul3A_326 = arith.muli %select_n3A_324, %mul3A_325 : i32
      %multiple_of3A_327 = tpu.assume_multiple %mul3A_326, 128 : i32
      %sub3A_328 = arith.subi %sub3A_300, %multiple_of3A_327 : i32
      %add3A_329 = arith.constant 1 : i32
      %add3A_330 = arith.addi %add3A_263, %add3A_329 : i32
      %sub3A_331 = arith.subi %add3A_330, %sub3A_328 : i32
      %sub3A_332 = arith.constant 2816 : i32
      %sub3A_333 = arith.subi %sub3A_332, %sub3A_331 : i32
      %rem3A_334 = arith.constant 1408 : i32
      %rem3A_335 = arith.remsi %sub3A_333, %rem3A_334 : i32
      %roll3A_336 = tpu.dynamic_rotate %get3A_270 by %rem3A_335 dim 1 : vector<8x1408xf32>, i32 -> vector<8x1408xf32>
      %get3A_337 = arith.constant 0 : index
      %get3A_338 = arith.index_cast %multiple_of3A_327 : i32 to index
      %get3A_339 = vector.load %arg2[%get3A_337, %get3A_338] : memref<8x781952xf32, #tpu.memory_space<vmem>>, vector<8x1408xf32>
      %ge3A_340 = vector.broadcast %sub3A_328 : i32 to vector<8x1408xi32>
      %ge3A_341 = arith.cmpi sge, %iota3A, %ge3A_340 : vector<8x1408xi32>
      %sub3A_342 = arith.constant 1249 : i32
      %sub3A_343 = arith.subi %sub3A_342, %add3A_263 : i32
      %add3A_344 = arith.addi %sub3A_328, %sub3A_343 : i32
      %lt3A_345 = vector.broadcast %add3A_344 : i32 to vector<8x1408xi32>
      %lt3A_346 = arith.cmpi slt, %iota3A, %lt3A_345 : vector<8x1408xi32>
      %and3A_347 = arith.andi %ge3A_341, %lt3A_346 : vector<8x1408xi1>
      %select_n3A_348 = arith.select %and3A_347, %roll3A_336, %get3A_339 : vector<8x1408xi1>, vector<8x1408xf32>
      %swap3A_349 = arith.constant 0 : index
      %swap3A_350 = arith.index_cast %multiple_of3A_327 : i32 to index
      %swap3A_351 = vector.load %arg2[%swap3A_349, %swap3A_350] : memref<8x781952xf32, #tpu.memory_space<vmem>>, vector<8x1408xf32>
      tpu.vector_store %arg2[%swap3A_349, %swap3A_350], %select_n3A_348 {strides = array<i32>} : memref<8x781952xf32, #tpu.memory_space<vmem>>, vector<8x1408xf32>,
      %add3A_352 = arith.constant 500 : i32
      %add3A_353 = arith.addi %add3A_352, %add3A : i32
      %get3A_354 = arith.constant 0 : index
      %get3A_355 = arith.constant 4 : index
      %get3A_356 = arith.constant 0 : index
      %get3A_357 = arith.index_cast %scan3A_5 : i32 to index
      %get3A_358 = arith.constant 0 : index
      %get3A_359 = vector.load %arg1[%get3A_354, %get3A_355, %get3A_356, %get3A_357, %get3A_358] : memref<8x10x1x5x1408xf32, #tpu.memory_space<vmem>>, vector<8x1x1x1x1408xf32>
      %get3A_360 = vector.shape_cast %get3A_359 : vector<8x1x1x1x1408xf32> to vector<8x1408xf32>
      %mul3A_361 = arith.constant 1249 : i32
      %mul3A_362 = arith.muli %add3A_353, %mul3A_361 : i32
      %sub3A_363 = arith.constant 1 : i32
      %sub3A_364 = arith.subi %add3A_353, %sub3A_363 : i32
      %mul3A_365 = arith.muli %add3A_353, %sub3A_364 : i32
      %jit3A_366 = arith.constant 2 : i32
      %div3A_367 = arith.divsi %mul3A_365, %jit3A_366 : i32
      %sign3A_368 = arith.constant 0 : i32
      %sign3A_369 = arith.cmpi sgt, %mul3A_365, %sign3A_368 : i32
      %sign3A_370 = arith.extui %sign3A_369 : i1 to i32
      %sign3A_371 = arith.constant 0 : i32
      %sign3A_372 = arith.cmpi slt, %mul3A_365, %sign3A_371 : i32
      %sign3A_373 = arith.extui %sign3A_372 : i1 to i32
      %sign3A_374 = arith.subi %sign3A_370, %sign3A_373 : i32
      %sign3A_375 = arith.constant 0 : i32
      %sign3A_376 = arith.cmpi sgt, %jit3A_366, %sign3A_375 : i32
      %sign3A_377 = arith.extui %sign3A_376 : i1 to i32
      %sign3A_378 = arith.constant 0 : i32
      %sign3A_379 = arith.cmpi slt, %jit3A_366, %sign3A_378 : i32
      %sign3A_380 = arith.extui %sign3A_379 : i1 to i32
      %sign3A_381 = arith.subi %sign3A_377, %sign3A_380 : i32
      %ne3A_382 = arith.cmpi ne, %sign3A_374, %sign3A_381 : i32
      %rem3A_383 = arith.remsi %mul3A_365, %jit3A_366 : i32
      %ne3A_384 = arith.constant 0 : i32
      %ne3A_385 = arith.cmpi ne, %rem3A_383, %ne3A_384 : i32
      %and3A_386 = arith.andi %ne3A_382, %ne3A_385 : i1
      %sub3A_387 = arith.constant 1 : i32
      %sub3A_388 = arith.subi %div3A_367, %sub3A_387 : i32
      %select_n3A_389 = arith.select %and3A_386, %sub3A_388, %div3A_367 : i32
      %sub3A_390 = arith.subi %mul3A_362, %select_n3A_389 : i32
      %jit3A_391 = arith.constant 128 : i32
      %div3A_392 = arith.divsi %sub3A_390, %jit3A_391 : i32
      %sign3A_393 = arith.constant 0 : i32
      %sign3A_394 = arith.cmpi sgt, %sub3A_390, %sign3A_393 : i32
      %sign3A_395 = arith.extui %sign3A_394 : i1 to i32
      %sign3A_396 = arith.constant 0 : i32
      %sign3A_397 = arith.cmpi slt, %sub3A_390, %sign3A_396 : i32
      %sign3A_398 = arith.extui %sign3A_397 : i1 to i32
      %sign3A_399 = arith.subi %sign3A_395, %sign3A_398 : i32
      %sign3A_400 = arith.constant 0 : i32
      %sign3A_401 = arith.cmpi sgt, %jit3A_391, %sign3A_400 : i32
      %sign3A_402 = arith.extui %sign3A_401 : i1 to i32
      %sign3A_403 = arith.constant 0 : i32
      %sign3A_404 = arith.cmpi slt, %jit3A_391, %sign3A_403 : i32
      %sign3A_405 = arith.extui %sign3A_404 : i1 to i32
      %sign3A_406 = arith.subi %sign3A_402, %sign3A_405 : i32
      %ne3A_407 = arith.cmpi ne, %sign3A_399, %sign3A_406 : i32
      %rem3A_408 = arith.remsi %sub3A_390, %jit3A_391 : i32
      %ne3A_409 = arith.constant 0 : i32
      %ne3A_410 = arith.cmpi ne, %rem3A_408, %ne3A_409 : i32
      %and3A_411 = arith.andi %ne3A_407, %ne3A_410 : i1
      %sub3A_412 = arith.constant 1 : i32
      %sub3A_413 = arith.subi %div3A_392, %sub3A_412 : i32
      %select_n3A_414 = arith.select %and3A_411, %sub3A_413, %div3A_392 : i32
      %mul3A_415 = arith.constant 128 : i32
      %mul3A_416 = arith.muli %select_n3A_414, %mul3A_415 : i32
      %multiple_of3A_417 = tpu.assume_multiple %mul3A_416, 128 : i32
      %sub3A_418 = arith.subi %sub3A_390, %multiple_of3A_417 : i32
      %add3A_419 = arith.constant 1 : i32
      %add3A_420 = arith.addi %add3A_353, %add3A_419 : i32
      %sub3A_421 = arith.subi %add3A_420, %sub3A_418 : i32
      %sub3A_422 = arith.constant 2816 : i32
      %sub3A_423 = arith.subi %sub3A_422, %sub3A_421 : i32
      %rem3A_424 = arith.constant 1408 : i32
      %rem3A_425 = arith.remsi %sub3A_423, %rem3A_424 : i32
      %roll3A_426 = tpu.dynamic_rotate %get3A_360 by %rem3A_425 dim 1 : vector<8x1408xf32>, i32 -> vector<8x1408xf32>
      %get3A_427 = arith.constant 0 : index
      %get3A_428 = arith.index_cast %multiple_of3A_417 : i32 to index
      %get3A_429 = vector.load %arg2[%get3A_427, %get3A_428] : memref<8x781952xf32, #tpu.memory_space<vmem>>, vector<8x1408xf32>
      %ge3A_430 = vector.broadcast %sub3A_418 : i32 to vector<8x1408xi32>
      %ge3A_431 = arith.cmpi sge, %iota3A, %ge3A_430 : vector<8x1408xi32>
      %sub3A_432 = arith.constant 1249 : i32
      %sub3A_433 = arith.subi %sub3A_432, %add3A_353 : i32
      %add3A_434 = arith.addi %sub3A_418, %sub3A_433 : i32
      %lt3A_435 = vector.broadcast %add3A_434 : i32 to vector<8x1408xi32>
      %lt3A_436 = arith.cmpi slt, %iota3A, %lt3A_435 : vector<8x1408xi32>
      %and3A_437 = arith.andi %ge3A_431, %lt3A_436 : vector<8x1408xi1>
      %select_n3A_438 = arith.select %and3A_437, %roll3A_426, %get3A_429 : vector<8x1408xi1>, vector<8x1408xf32>
      %swap3A_439 = arith.constant 0 : index
      %swap3A_440 = arith.index_cast %multiple_of3A_417 : i32 to index
      %swap3A_441 = vector.load %arg2[%swap3A_439, %swap3A_440] : memref<8x781952xf32, #tpu.memory_space<vmem>>, vector<8x1408xf32>
      tpu.vector_store %arg2[%swap3A_439, %swap3A_440], %select_n3A_438 {strides = array<i32>} : memref<8x781952xf32, #tpu.memory_space<vmem>>, vector<8x1408xf32>,
      %add3A_442 = arith.constant 625 : i32
      %add3A_443 = arith.addi %add3A_442, %add3A : i32
      %get3A_444 = arith.constant 0 : index
      %get3A_445 = arith.constant 5 : index
      %get3A_446 = arith.constant 0 : index
      %get3A_447 = arith.index_cast %scan3A_5 : i32 to index
      %get3A_448 = arith.constant 0 : index
      %get3A_449 = vector.load %arg1[%get3A_444, %get3A_445, %get3A_446, %get3A_447, %get3A_448] : memref<8x10x1x5x1408xf32, #tpu.memory_space<vmem>>, vector<8x1x1x1x1408xf32>
      %get3A_450 = vector.shape_cast %get3A_449 : vector<8x1x1x1x1408xf32> to vector<8x1408xf32>
      %mul3A_451 = arith.constant 1249 : i32
      %mul3A_452 = arith.muli %add3A_443, %mul3A_451 : i32
      %sub3A_453 = arith.constant 1 : i32
      %sub3A_454 = arith.subi %add3A_443, %sub3A_453 : i32
      %mul3A_455 = arith.muli %add3A_443, %sub3A_454 : i32
      %jit3A_456 = arith.constant 2 : i32
      %div3A_457 = arith.divsi %mul3A_455, %jit3A_456 : i32
      %sign3A_458 = arith.constant 0 : i32
      %sign3A_459 = arith.cmpi sgt, %mul3A_455, %sign3A_458 : i32
      %sign3A_460 = arith.extui %sign3A_459 : i1 to i32
      %sign3A_461 = arith.constant 0 : i32
      %sign3A_462 = arith.cmpi slt, %mul3A_455, %sign3A_461 : i32
      %sign3A_463 = arith.extui %sign3A_462 : i1 to i32
      %sign3A_464 = arith.subi %sign3A_460, %sign3A_463 : i32
      %sign3A_465 = arith.constant 0 : i32
      %sign3A_466 = arith.cmpi sgt, %jit3A_456, %sign3A_465 : i32
      %sign3A_467 = arith.extui %sign3A_466 : i1 to i32
      %sign3A_468 = arith.constant 0 : i32
      %sign3A_469 = arith.cmpi slt, %jit3A_456, %sign3A_468 : i32
      %sign3A_470 = arith.extui %sign3A_469 : i1 to i32
      %sign3A_471 = arith.subi %sign3A_467, %sign3A_470 : i32
      %ne3A_472 = arith.cmpi ne, %sign3A_464, %sign3A_471 : i32
      %rem3A_473 = arith.remsi %mul3A_455, %jit3A_456 : i32
      %ne3A_474 = arith.constant 0 : i32
      %ne3A_475 = arith.cmpi ne, %rem3A_473, %ne3A_474 : i32
      %and3A_476 = arith.andi %ne3A_472, %ne3A_475 : i1
      %sub3A_477 = arith.constant 1 : i32
      %sub3A_478 = arith.subi %div3A_457, %sub3A_477 : i32
      %select_n3A_479 = arith.select %and3A_476, %sub3A_478, %div3A_457 : i32
      %sub3A_480 = arith.subi %mul3A_452, %select_n3A_479 : i32
      %jit3A_481 = arith.constant 128 : i32
      %div3A_482 = arith.divsi %sub3A_480, %jit3A_481 : i32
      %sign3A_483 = arith.constant 0 : i32
      %sign3A_484 = arith.cmpi sgt, %sub3A_480, %sign3A_483 : i32
      %sign3A_485 = arith.extui %sign3A_484 : i1 to i32
      %sign3A_486 = arith.constant 0 : i32
      %sign3A_487 = arith.cmpi slt, %sub3A_480, %sign3A_486 : i32
      %sign3A_488 = arith.extui %sign3A_487 : i1 to i32
      %sign3A_489 = arith.subi %sign3A_485, %sign3A_488 : i32
      %sign3A_490 = arith.constant 0 : i32
      %sign3A_491 = arith.cmpi sgt, %jit3A_481, %sign3A_490 : i32
      %sign3A_492 = arith.extui %sign3A_491 : i1 to i32
      %sign3A_493 = arith.constant 0 : i32
      %sign3A_494 = arith.cmpi slt, %jit3A_481, %sign3A_493 : i32
      %sign3A_495 = arith.extui %sign3A_494 : i1 to i32
      %sign3A_496 = arith.subi %sign3A_492, %sign3A_495 : i32
      %ne3A_497 = arith.cmpi ne, %sign3A_489, %sign3A_496 : i32
      %rem3A_498 = arith.remsi %sub3A_480, %jit3A_481 : i32
      %ne3A_499 = arith.constant 0 : i32
      %ne3A_500 = arith.cmpi ne, %rem3A_498, %ne3A_499 : i32
      %and3A_501 = arith.andi %ne3A_497, %ne3A_500 : i1
      %sub3A_502 = arith.constant 1 : i32
      %sub3A_503 = arith.subi %div3A_482, %sub3A_502 : i32
      %select_n3A_504 = arith.select %and3A_501, %sub3A_503, %div3A_482 : i32
      %mul3A_505 = arith.constant 128 : i32
      %mul3A_506 = arith.muli %select_n3A_504, %mul3A_505 : i32
      %multiple_of3A_507 = tpu.assume_multiple %mul3A_506, 128 : i32
      %sub3A_508 = arith.subi %sub3A_480, %multiple_of3A_507 : i32
      %add3A_509 = arith.constant 1 : i32
      %add3A_510 = arith.addi %add3A_443, %add3A_509 : i32
      %sub3A_511 = arith.subi %add3A_510, %sub3A_508 : i32
      %sub3A_512 = arith.constant 2816 : i32
      %sub3A_513 = arith.subi %sub3A_512, %sub3A_511 : i32
      %rem3A_514 = arith.constant 1408 : i32
      %rem3A_515 = arith.remsi %sub3A_513, %rem3A_514 : i32
      %roll3A_516 = tpu.dynamic_rotate %get3A_450 by %rem3A_515 dim 1 : vector<8x1408xf32>, i32 -> vector<8x1408xf32>
      %get3A_517 = arith.constant 0 : index
      %get3A_518 = arith.index_cast %multiple_of3A_507 : i32 to index
      %get3A_519 = vector.load %arg2[%get3A_517, %get3A_518] : memref<8x781952xf32, #tpu.memory_space<vmem>>, vector<8x1408xf32>
      %ge3A_520 = vector.broadcast %sub3A_508 : i32 to vector<8x1408xi32>
      %ge3A_521 = arith.cmpi sge, %iota3A, %ge3A_520 : vector<8x1408xi32>
      %sub3A_522 = arith.constant 1249 : i32
      %sub3A_523 = arith.subi %sub3A_522, %add3A_443 : i32
      %add3A_524 = arith.addi %sub3A_508, %sub3A_523 : i32
      %lt3A_525 = vector.broadcast %add3A_524 : i32 to vector<8x1408xi32>
      %lt3A_526 = arith.cmpi slt, %iota3A, %lt3A_525 : vector<8x1408xi32>
      %and3A_527 = arith.andi %ge3A_521, %lt3A_526 : vector<8x1408xi1>
      %select_n3A_528 = arith.select %and3A_527, %roll3A_516, %get3A_519 : vector<8x1408xi1>, vector<8x1408xf32>
      %swap3A_529 = arith.constant 0 : index
      %swap3A_530 = arith.index_cast %multiple_of3A_507 : i32 to index
      %swap3A_531 = vector.load %arg2[%swap3A_529, %swap3A_530] : memref<8x781952xf32, #tpu.memory_space<vmem>>, vector<8x1408xf32>
      tpu.vector_store %arg2[%swap3A_529, %swap3A_530], %select_n3A_528 {strides = array<i32>} : memref<8x781952xf32, #tpu.memory_space<vmem>>, vector<8x1408xf32>,
      %add3A_532 = arith.constant 750 : i32
      %add3A_533 = arith.addi %add3A_532, %add3A : i32
      %get3A_534 = arith.constant 0 : index
      %get3A_535 = arith.constant 6 : index
      %get3A_536 = arith.constant 0 : index
      %get3A_537 = arith.index_cast %scan3A_5 : i32 to index
      %get3A_538 = arith.constant 0 : index
      %get3A_539 = vector.load %arg1[%get3A_534, %get3A_535, %get3A_536, %get3A_537, %get3A_538] : memref<8x10x1x5x1408xf32, #tpu.memory_space<vmem>>, vector<8x1x1x1x1408xf32>
      %get3A_540 = vector.shape_cast %get3A_539 : vector<8x1x1x1x1408xf32> to vector<8x1408xf32>
      %mul3A_541 = arith.constant 1249 : i32
      %mul3A_542 = arith.muli %add3A_533, %mul3A_541 : i32
      %sub3A_543 = arith.constant 1 : i32
      %sub3A_544 = arith.subi %add3A_533, %sub3A_543 : i32
      %mul3A_545 = arith.muli %add3A_533, %sub3A_544 : i32
      %jit3A_546 = arith.constant 2 : i32
      %div3A_547 = arith.divsi %mul3A_545, %jit3A_546 : i32
      %sign3A_548 = arith.constant 0 : i32
      %sign3A_549 = arith.cmpi sgt, %mul3A_545, %sign3A_548 : i32
      %sign3A_550 = arith.extui %sign3A_549 : i1 to i32
      %sign3A_551 = arith.constant 0 : i32
      %sign3A_552 = arith.cmpi slt, %mul3A_545, %sign3A_551 : i32
      %sign3A_553 = arith.extui %sign3A_552 : i1 to i32
      %sign3A_554 = arith.subi %sign3A_550, %sign3A_553 : i32
      %sign3A_555 = arith.constant 0 : i32
      %sign3A_556 = arith.cmpi sgt, %jit3A_546, %sign3A_555 : i32
      %sign3A_557 = arith.extui %sign3A_556 : i1 to i32
      %sign3A_558 = arith.constant 0 : i32
      %sign3A_559 = arith.cmpi slt, %jit3A_546, %sign3A_558 : i32
      %sign3A_560 = arith.extui %sign3A_559 : i1 to i32
      %sign3A_561 = arith.subi %sign3A_557, %sign3A_560 : i32
      %ne3A_562 = arith.cmpi ne, %sign3A_554, %sign3A_561 : i32
      %rem3A_563 = arith.remsi %mul3A_545, %jit3A_546 : i32
      %ne3A_564 = arith.constant 0 : i32
      %ne3A_565 = arith.cmpi ne, %rem3A_563, %ne3A_564 : i32
      %and3A_566 = arith.andi %ne3A_562, %ne3A_565 : i1
      %sub3A_567 = arith.constant 1 : i32
      %sub3A_568 = arith.subi %div3A_547, %sub3A_567 : i32
      %select_n3A_569 = arith.select %and3A_566, %sub3A_568, %div3A_547 : i32
      %sub3A_570 = arith.subi %mul3A_542, %select_n3A_569 : i32
      %jit3A_571 = arith.constant 128 : i32
      %div3A_572 = arith.divsi %sub3A_570, %jit3A_571 : i32
      %sign3A_573 = arith.constant 0 : i32
      %sign3A_574 = arith.cmpi sgt, %sub3A_570, %sign3A_573 : i32
      %sign3A_575 = arith.extui %sign3A_574 : i1 to i32
      %sign3A_576 = arith.constant 0 : i32
      %sign3A_577 = arith.cmpi slt, %sub3A_570, %sign3A_576 : i32
      %sign3A_578 = arith.extui %sign3A_577 : i1 to i32
      %sign3A_579 = arith.subi %sign3A_575, %sign3A_578 : i32
      %sign3A_580 = arith.constant 0 : i32
      %sign3A_581 = arith.cmpi sgt, %jit3A_571, %sign3A_580 : i32
      %sign3A_582 = arith.extui %sign3A_581 : i1 to i32
      %sign3A_583 = arith.constant 0 : i32
      %sign3A_584 = arith.cmpi slt, %jit3A_571, %sign3A_583 : i32
      %sign3A_585 = arith.extui %sign3A_584 : i1 to i32
      %sign3A_586 = arith.subi %sign3A_582, %sign3A_585 : i32
      %ne3A_587 = arith.cmpi ne, %sign3A_579, %sign3A_586 : i32
      %rem3A_588 = arith.remsi %sub3A_570, %jit3A_571 : i32
      %ne3A_589 = arith.constant 0 : i32
      %ne3A_590 = arith.cmpi ne, %rem3A_588, %ne3A_589 : i32
      %and3A_591 = arith.andi %ne3A_587, %ne3A_590 : i1
      %sub3A_592 = arith.constant 1 : i32
      %sub3A_593 = arith.subi %div3A_572, %sub3A_592 : i32
      %select_n3A_594 = arith.select %and3A_591, %sub3A_593, %div3A_572 : i32
      %mul3A_595 = arith.constant 128 : i32
      %mul3A_596 = arith.muli %select_n3A_594, %mul3A_595 : i32
      %multiple_of3A_597 = tpu.assume_multiple %mul3A_596, 128 : i32
      %sub3A_598 = arith.subi %sub3A_570, %multiple_of3A_597 : i32
      %add3A_599 = arith.constant 1 : i32
      %add3A_600 = arith.addi %add3A_533, %add3A_599 : i32
      %sub3A_601 = arith.subi %add3A_600, %sub3A_598 : i32
      %sub3A_602 = arith.constant 2816 : i32
      %sub3A_603 = arith.subi %sub3A_602, %sub3A_601 : i32
      %rem3A_604 = arith.constant 1408 : i32
      %rem3A_605 = arith.remsi %sub3A_603, %rem3A_604 : i32
      %roll3A_606 = tpu.dynamic_rotate %get3A_540 by %rem3A_605 dim 1 : vector<8x1408xf32>, i32 -> vector<8x1408xf32>
      %get3A_607 = arith.constant 0 : index
      %get3A_608 = arith.index_cast %multiple_of3A_597 : i32 to index
      %get3A_609 = vector.load %arg2[%get3A_607, %get3A_608] : memref<8x781952xf32, #tpu.memory_space<vmem>>, vector<8x1408xf32>
      %ge3A_610 = vector.broadcast %sub3A_598 : i32 to vector<8x1408xi32>
      %ge3A_611 = arith.cmpi sge, %iota3A, %ge3A_610 : vector<8x1408xi32>
      %sub3A_612 = arith.constant 1249 : i32
      %sub3A_613 = arith.subi %sub3A_612, %add3A_533 : i32
      %add3A_614 = arith.addi %sub3A_598, %sub3A_613 : i32
      %lt3A_615 = vector.broadcast %add3A_614 : i32 to vector<8x1408xi32>
      %lt3A_616 = arith.cmpi slt, %iota3A, %lt3A_615 : vector<8x1408xi32>
      %and3A_617 = arith.andi %ge3A_611, %lt3A_616 : vector<8x1408xi1>
      %select_n3A_618 = arith.select %and3A_617, %roll3A_606, %get3A_609 : vector<8x1408xi1>, vector<8x1408xf32>
      %swap3A_619 = arith.constant 0 : index
      %swap3A_620 = arith.index_cast %multiple_of3A_597 : i32 to index
      %swap3A_621 = vector.load %arg2[%swap3A_619, %swap3A_620] : memref<8x781952xf32, #tpu.memory_space<vmem>>, vector<8x1408xf32>
      tpu.vector_store %arg2[%swap3A_619, %swap3A_620], %select_n3A_618 {strides = array<i32>} : memref<8x781952xf32, #tpu.memory_space<vmem>>, vector<8x1408xf32>,
      %add3A_622 = arith.constant 875 : i32
      %add3A_623 = arith.addi %add3A_622, %add3A : i32
      %get3A_624 = arith.constant 0 : index
      %get3A_625 = arith.constant 7 : index
      %get3A_626 = arith.constant 0 : index
      %get3A_627 = arith.index_cast %scan3A_5 : i32 to index
      %get3A_628 = arith.constant 0 : index
      %get3A_629 = vector.load %arg1[%get3A_624, %get3A_625, %get3A_626, %get3A_627, %get3A_628] : memref<8x10x1x5x1408xf32, #tpu.memory_space<vmem>>, vector<8x1x1x1x1408xf32>
      %get3A_630 = vector.shape_cast %get3A_629 : vector<8x1x1x1x1408xf32> to vector<8x1408xf32>
      %mul3A_631 = arith.constant 1249 : i32
      %mul3A_632 = arith.muli %add3A_623, %mul3A_631 : i32
      %sub3A_633 = arith.constant 1 : i32
      %sub3A_634 = arith.subi %add3A_623, %sub3A_633 : i32
      %mul3A_635 = arith.muli %add3A_623, %sub3A_634 : i32
      %jit3A_636 = arith.constant 2 : i32
      %div3A_637 = arith.divsi %mul3A_635, %jit3A_636 : i32
      %sign3A_638 = arith.constant 0 : i32
      %sign3A_639 = arith.cmpi sgt, %mul3A_635, %sign3A_638 : i32
      %sign3A_640 = arith.extui %sign3A_639 : i1 to i32
      %sign3A_641 = arith.constant 0 : i32
      %sign3A_642 = arith.cmpi slt, %mul3A_635, %sign3A_641 : i32
      %sign3A_643 = arith.extui %sign3A_642 : i1 to i32
      %sign3A_644 = arith.subi %sign3A_640, %sign3A_643 : i32
      %sign3A_645 = arith.constant 0 : i32
      %sign3A_646 = arith.cmpi sgt, %jit3A_636, %sign3A_645 : i32
      %sign3A_647 = arith.extui %sign3A_646 : i1 to i32
      %sign3A_648 = arith.constant 0 : i32
      %sign3A_649 = arith.cmpi slt, %jit3A_636, %sign3A_648 : i32
      %sign3A_650 = arith.extui %sign3A_649 : i1 to i32
      %sign3A_651 = arith.subi %sign3A_647, %sign3A_650 : i32
      %ne3A_652 = arith.cmpi ne, %sign3A_644, %sign3A_651 : i32
      %rem3A_653 = arith.remsi %mul3A_635, %jit3A_636 : i32
      %ne3A_654 = arith.constant 0 : i32
      %ne3A_655 = arith.cmpi ne, %rem3A_653, %ne3A_654 : i32
      %and3A_656 = arith.andi %ne3A_652, %ne3A_655 : i1
      %sub3A_657 = arith.constant 1 : i32
      %sub3A_658 = arith.subi %div3A_637, %sub3A_657 : i32
      %select_n3A_659 = arith.select %and3A_656, %sub3A_658, %div3A_637 : i32
      %sub3A_660 = arith.subi %mul3A_632, %select_n3A_659 : i32
      %jit3A_661 = arith.constant 128 : i32
      %div3A_662 = arith.divsi %sub3A_660, %jit3A_661 : i32
      %sign3A_663 = arith.constant 0 : i32
      %sign3A_664 = arith.cmpi sgt, %sub3A_660, %sign3A_663 : i32
      %sign3A_665 = arith.extui %sign3A_664 : i1 to i32
      %sign3A_666 = arith.constant 0 : i32
      %sign3A_667 = arith.cmpi slt, %sub3A_660, %sign3A_666 : i32
      %sign3A_668 = arith.extui %sign3A_667 : i1 to i32
      %sign3A_669 = arith.subi %sign3A_665, %sign3A_668 : i32
      %sign3A_670 = arith.constant 0 : i32
      %sign3A_671 = arith.cmpi sgt, %jit3A_661, %sign3A_670 : i32
      %sign3A_672 = arith.extui %sign3A_671 : i1 to i32
      %sign3A_673 = arith.constant 0 : i32
      %sign3A_674 = arith.cmpi slt, %jit3A_661, %sign3A_673 : i32
      %sign3A_675 = arith.extui %sign3A_674 : i1 to i32
      %sign3A_676 = arith.subi %sign3A_672, %sign3A_675 : i32
      %ne3A_677 = arith.cmpi ne, %sign3A_669, %sign3A_676 : i32
      %rem3A_678 = arith.remsi %sub3A_660, %jit3A_661 : i32
      %ne3A_679 = arith.constant 0 : i32
      %ne3A_680 = arith.cmpi ne, %rem3A_678, %ne3A_679 : i32
      %and3A_681 = arith.andi %ne3A_677, %ne3A_680 : i1
      %sub3A_682 = arith.constant 1 : i32
      %sub3A_683 = arith.subi %div3A_662, %sub3A_682 : i32
      %select_n3A_684 = arith.select %and3A_681, %sub3A_683, %div3A_662 : i32
      %mul3A_685 = arith.constant 128 : i32
      %mul3A_686 = arith.muli %select_n3A_684, %mul3A_685 : i32
      %multiple_of3A_687 = tpu.assume_multiple %mul3A_686, 128 : i32
      %sub3A_688 = arith.subi %sub3A_660, %multiple_of3A_687 : i32
      %add3A_689 = arith.constant 1 : i32
      %add3A_690 = arith.addi %add3A_623, %add3A_689 : i32
      %sub3A_691 = arith.subi %add3A_690, %sub3A_688 : i32
      %sub3A_692 = arith.constant 2816 : i32
      %sub3A_693 = arith.subi %sub3A_692, %sub3A_691 : i32
      %rem3A_694 = arith.constant 1408 : i32
      %rem3A_695 = arith.remsi %sub3A_693, %rem3A_694 : i32
      %roll3A_696 = tpu.dynamic_rotate %get3A_630 by %rem3A_695 dim 1 : vector<8x1408xf32>, i32 -> vector<8x1408xf32>
      %get3A_697 = arith.constant 0 : index
      %get3A_698 = arith.index_cast %multiple_of3A_687 : i32 to index
      %get3A_699 = vector.load %arg2[%get3A_697, %get3A_698] : memref<8x781952xf32, #tpu.memory_space<vmem>>, vector<8x1408xf32>
      %ge3A_700 = vector.broadcast %sub3A_688 : i32 to vector<8x1408xi32>
      %ge3A_701 = arith.cmpi sge, %iota3A, %ge3A_700 : vector<8x1408xi32>
      %sub3A_702 = arith.constant 1249 : i32
      %sub3A_703 = arith.subi %sub3A_702, %add3A_623 : i32
      %add3A_704 = arith.addi %sub3A_688, %sub3A_703 : i32
      %lt3A_705 = vector.broadcast %add3A_704 : i32 to vector<8x1408xi32>
      %lt3A_706 = arith.cmpi slt, %iota3A, %lt3A_705 : vector<8x1408xi32>
      %and3A_707 = arith.andi %ge3A_701, %lt3A_706 : vector<8x1408xi1>
      %select_n3A_708 = arith.select %and3A_707, %roll3A_696, %get3A_699 : vector<8x1408xi1>, vector<8x1408xf32>
      %swap3A_709 = arith.constant 0 : index
      %swap3A_710 = arith.index_cast %multiple_of3A_687 : i32 to index
      %swap3A_711 = vector.load %arg2[%swap3A_709, %swap3A_710] : memref<8x781952xf32, #tpu.memory_space<vmem>>, vector<8x1408xf32>
      tpu.vector_store %arg2[%swap3A_709, %swap3A_710], %select_n3A_708 {strides = array<i32>} : memref<8x781952xf32, #tpu.memory_space<vmem>>, vector<8x1408xf32>,
      %add3A_712 = arith.constant 1000 : i32
      %add3A_713 = arith.addi %add3A_712, %add3A : i32
      %get3A_714 = arith.constant 0 : index
      %get3A_715 = arith.constant 8 : index
      %get3A_716 = arith.constant 0 : index
      %get3A_717 = arith.index_cast %scan3A_5 : i32 to index
      %get3A_718 = arith.constant 0 : index
      %get3A_719 = vector.load %arg1[%get3A_714, %get3A_715, %get3A_716, %get3A_717, %get3A_718] : memref<8x10x1x5x1408xf32, #tpu.memory_space<vmem>>, vector<8x1x1x1x1408xf32>
      %get3A_720 = vector.shape_cast %get3A_719 : vector<8x1x1x1x1408xf32> to vector<8x1408xf32>
      %mul3A_721 = arith.constant 1249 : i32
      %mul3A_722 = arith.muli %add3A_713, %mul3A_721 : i32
      %sub3A_723 = arith.constant 1 : i32
      %sub3A_724 = arith.subi %add3A_713, %sub3A_723 : i32
      %mul3A_725 = arith.muli %add3A_713, %sub3A_724 : i32
      %jit3A_726 = arith.constant 2 : i32
      %div3A_727 = arith.divsi %mul3A_725, %jit3A_726 : i32
      %sign3A_728 = arith.constant 0 : i32
      %sign3A_729 = arith.cmpi sgt, %mul3A_725, %sign3A_728 : i32
      %sign3A_730 = arith.extui %sign3A_729 : i1 to i32
      %sign3A_731 = arith.constant 0 : i32
      %sign3A_732 = arith.cmpi slt, %mul3A_725, %sign3A_731 : i32
      %sign3A_733 = arith.extui %sign3A_732 : i1 to i32
      %sign3A_734 = arith.subi %sign3A_730, %sign3A_733 : i32
      %sign3A_735 = arith.constant 0 : i32
      %sign3A_736 = arith.cmpi sgt, %jit3A_726, %sign3A_735 : i32
      %sign3A_737 = arith.extui %sign3A_736 : i1 to i32
      %sign3A_738 = arith.constant 0 : i32
      %sign3A_739 = arith.cmpi slt, %jit3A_726, %sign3A_738 : i32
      %sign3A_740 = arith.extui %sign3A_739 : i1 to i32
      %sign3A_741 = arith.subi %sign3A_737, %sign3A_740 : i32
      %ne3A_742 = arith.cmpi ne, %sign3A_734, %sign3A_741 : i32
      %rem3A_743 = arith.remsi %mul3A_725, %jit3A_726 : i32
      %ne3A_744 = arith.constant 0 : i32
      %ne3A_745 = arith.cmpi ne, %rem3A_743, %ne3A_744 : i32
      %and3A_746 = arith.andi %ne3A_742, %ne3A_745 : i1
      %sub3A_747 = arith.constant 1 : i32
      %sub3A_748 = arith.subi %div3A_727, %sub3A_747 : i32
      %select_n3A_749 = arith.select %and3A_746, %sub3A_748, %div3A_727 : i32
      %sub3A_750 = arith.subi %mul3A_722, %select_n3A_749 : i32
      %jit3A_751 = arith.constant 128 : i32
      %div3A_752 = arith.divsi %sub3A_750, %jit3A_751 : i32
      %sign3A_753 = arith.constant 0 : i32
      %sign3A_754 = arith.cmpi sgt, %sub3A_750, %sign3A_753 : i32
      %sign3A_755 = arith.extui %sign3A_754 : i1 to i32
      %sign3A_756 = arith.constant 0 : i32
      %sign3A_757 = arith.cmpi slt, %sub3A_750, %sign3A_756 : i32
      %sign3A_758 = arith.extui %sign3A_757 : i1 to i32
      %sign3A_759 = arith.subi %sign3A_755, %sign3A_758 : i32
      %sign3A_760 = arith.constant 0 : i32
      %sign3A_761 = arith.cmpi sgt, %jit3A_751, %sign3A_760 : i32
      %sign3A_762 = arith.extui %sign3A_761 : i1 to i32
      %sign3A_763 = arith.constant 0 : i32
      %sign3A_764 = arith.cmpi slt, %jit3A_751, %sign3A_763 : i32
      %sign3A_765 = arith.extui %sign3A_764 : i1 to i32
      %sign3A_766 = arith.subi %sign3A_762, %sign3A_765 : i32
      %ne3A_767 = arith.cmpi ne, %sign3A_759, %sign3A_766 : i32
      %rem3A_768 = arith.remsi %sub3A_750, %jit3A_751 : i32
      %ne3A_769 = arith.constant 0 : i32
      %ne3A_770 = arith.cmpi ne, %rem3A_768, %ne3A_769 : i32
      %and3A_771 = arith.andi %ne3A_767, %ne3A_770 : i1
      %sub3A_772 = arith.constant 1 : i32
      %sub3A_773 = arith.subi %div3A_752, %sub3A_772 : i32
      %select_n3A_774 = arith.select %and3A_771, %sub3A_773, %div3A_752 : i32
      %mul3A_775 = arith.constant 128 : i32
      %mul3A_776 = arith.muli %select_n3A_774, %mul3A_775 : i32
      %multiple_of3A_777 = tpu.assume_multiple %mul3A_776, 128 : i32
      %sub3A_778 = arith.subi %sub3A_750, %multiple_of3A_777 : i32
      %add3A_779 = arith.constant 1 : i32
      %add3A_780 = arith.addi %add3A_713, %add3A_779 : i32
      %sub3A_781 = arith.subi %add3A_780, %sub3A_778 : i32
      %sub3A_782 = arith.constant 2816 : i32
      %sub3A_783 = arith.subi %sub3A_782, %sub3A_781 : i32
      %rem3A_784 = arith.constant 1408 : i32
      %rem3A_785 = arith.remsi %sub3A_783, %rem3A_784 : i32
      %roll3A_786 = tpu.dynamic_rotate %get3A_720 by %rem3A_785 dim 1 : vector<8x1408xf32>, i32 -> vector<8x1408xf32>
      %get3A_787 = arith.constant 0 : index
      %get3A_788 = arith.index_cast %multiple_of3A_777 : i32 to index
      %get3A_789 = vector.load %arg2[%get3A_787, %get3A_788] : memref<8x781952xf32, #tpu.memory_space<vmem>>, vector<8x1408xf32>
      %ge3A_790 = vector.broadcast %sub3A_778 : i32 to vector<8x1408xi32>
      %ge3A_791 = arith.cmpi sge, %iota3A, %ge3A_790 : vector<8x1408xi32>
      %sub3A_792 = arith.constant 1249 : i32
      %sub3A_793 = arith.subi %sub3A_792, %add3A_713 : i32
      %add3A_794 = arith.addi %sub3A_778, %sub3A_793 : i32
      %lt3A_795 = vector.broadcast %add3A_794 : i32 to vector<8x1408xi32>
      %lt3A_796 = arith.cmpi slt, %iota3A, %lt3A_795 : vector<8x1408xi32>
      %and3A_797 = arith.andi %ge3A_791, %lt3A_796 : vector<8x1408xi1>
      %select_n3A_798 = arith.select %and3A_797, %roll3A_786, %get3A_789 : vector<8x1408xi1>, vector<8x1408xf32>
      %swap3A_799 = arith.constant 0 : index
      %swap3A_800 = arith.index_cast %multiple_of3A_777 : i32 to index
      %swap3A_801 = vector.load %arg2[%swap3A_799, %swap3A_800] : memref<8x781952xf32, #tpu.memory_space<vmem>>, vector<8x1408xf32>
      tpu.vector_store %arg2[%swap3A_799, %swap3A_800], %select_n3A_798 {strides = array<i32>} : memref<8x781952xf32, #tpu.memory_space<vmem>>, vector<8x1408xf32>,
      %add3A_802 = arith.constant 1125 : i32
      %add3A_803 = arith.addi %add3A_802, %add3A : i32
      %get3A_804 = arith.constant 0 : index
      %get3A_805 = arith.constant 9 : index
      %get3A_806 = arith.constant 0 : index
      %get3A_807 = arith.index_cast %scan3A_5 : i32 to index
      %get3A_808 = arith.constant 0 : index
      %get3A_809 = vector.load %arg1[%get3A_804, %get3A_805, %get3A_806, %get3A_807, %get3A_808] : memref<8x10x1x5x1408xf32, #tpu.memory_space<vmem>>, vector<8x1x1x1x1408xf32>
      %get3A_810 = vector.shape_cast %get3A_809 : vector<8x1x1x1x1408xf32> to vector<8x1408xf32>
      %mul3A_811 = arith.constant 1249 : i32
      %mul3A_812 = arith.muli %add3A_803, %mul3A_811 : i32
      %sub3A_813 = arith.constant 1 : i32
      %sub3A_814 = arith.subi %add3A_803, %sub3A_813 : i32
      %mul3A_815 = arith.muli %add3A_803, %sub3A_814 : i32
      %jit3A_816 = arith.constant 2 : i32
      %div3A_817 = arith.divsi %mul3A_815, %jit3A_816 : i32
      %sign3A_818 = arith.constant 0 : i32
      %sign3A_819 = arith.cmpi sgt, %mul3A_815, %sign3A_818 : i32
      %sign3A_820 = arith.extui %sign3A_819 : i1 to i32
      %sign3A_821 = arith.constant 0 : i32
      %sign3A_822 = arith.cmpi slt, %mul3A_815, %sign3A_821 : i32
      %sign3A_823 = arith.extui %sign3A_822 : i1 to i32
      %sign3A_824 = arith.subi %sign3A_820, %sign3A_823 : i32
      %sign3A_825 = arith.constant 0 : i32
      %sign3A_826 = arith.cmpi sgt, %jit3A_816, %sign3A_825 : i32
      %sign3A_827 = arith.extui %sign3A_826 : i1 to i32
      %sign3A_828 = arith.constant 0 : i32
      %sign3A_829 = arith.cmpi slt, %jit3A_816, %sign3A_828 : i32
      %sign3A_830 = arith.extui %sign3A_829 : i1 to i32
      %sign3A_831 = arith.subi %sign3A_827, %sign3A_830 : i32
      %ne3A_832 = arith.cmpi ne, %sign3A_824, %sign3A_831 : i32
      %rem3A_833 = arith.remsi %mul3A_815, %jit3A_816 : i32
      %ne3A_834 = arith.constant 0 : i32
      %ne3A_835 = arith.cmpi ne, %rem3A_833, %ne3A_834 : i32
      %and3A_836 = arith.andi %ne3A_832, %ne3A_835 : i1
      %sub3A_837 = arith.constant 1 : i32
      %sub3A_838 = arith.subi %div3A_817, %sub3A_837 : i32
      %select_n3A_839 = arith.select %and3A_836, %sub3A_838, %div3A_817 : i32
      %sub3A_840 = arith.subi %mul3A_812, %select_n3A_839 : i32
      %jit3A_841 = arith.constant 128 : i32
      %div3A_842 = arith.divsi %sub3A_840, %jit3A_841 : i32
      %sign3A_843 = arith.constant 0 : i32
      %sign3A_844 = arith.cmpi sgt, %sub3A_840, %sign3A_843 : i32
      %sign3A_845 = arith.extui %sign3A_844 : i1 to i32
      %sign3A_846 = arith.constant 0 : i32
      %sign3A_847 = arith.cmpi slt, %sub3A_840, %sign3A_846 : i32
      %sign3A_848 = arith.extui %sign3A_847 : i1 to i32
      %sign3A_849 = arith.subi %sign3A_845, %sign3A_848 : i32
      %sign3A_850 = arith.constant 0 : i32
      %sign3A_851 = arith.cmpi sgt, %jit3A_841, %sign3A_850 : i32
      %sign3A_852 = arith.extui %sign3A_851 : i1 to i32
      %sign3A_853 = arith.constant 0 : i32
      %sign3A_854 = arith.cmpi slt, %jit3A_841, %sign3A_853 : i32
      %sign3A_855 = arith.extui %sign3A_854 : i1 to i32
      %sign3A_856 = arith.subi %sign3A_852, %sign3A_855 : i32
      %ne3A_857 = arith.cmpi ne, %sign3A_849, %sign3A_856 : i32
      %rem3A_858 = arith.remsi %sub3A_840, %jit3A_841 : i32
      %ne3A_859 = arith.constant 0 : i32
      %ne3A_860 = arith.cmpi ne, %rem3A_858, %ne3A_859 : i32
      %and3A_861 = arith.andi %ne3A_857, %ne3A_860 : i1
      %sub3A_862 = arith.constant 1 : i32
      %sub3A_863 = arith.subi %div3A_842, %sub3A_862 : i32
      %select_n3A_864 = arith.select %and3A_861, %sub3A_863, %div3A_842 : i32
      %mul3A_865 = arith.constant 128 : i32
      %mul3A_866 = arith.muli %select_n3A_864, %mul3A_865 : i32
      %multiple_of3A_867 = tpu.assume_multiple %mul3A_866, 128 : i32
      %sub3A_868 = arith.subi %sub3A_840, %multiple_of3A_867 : i32
      %add3A_869 = arith.constant 1 : i32
      %add3A_870 = arith.addi %add3A_803, %add3A_869 : i32
      %sub3A_871 = arith.subi %add3A_870, %sub3A_868 : i32
      %sub3A_872 = arith.constant 2816 : i32
      %sub3A_873 = arith.subi %sub3A_872, %sub3A_871 : i32
      %rem3A_874 = arith.constant 1408 : i32
      %rem3A_875 = arith.remsi %sub3A_873, %rem3A_874 : i32
      %roll3A_876 = tpu.dynamic_rotate %get3A_810 by %rem3A_875 dim 1 : vector<8x1408xf32>, i32 -> vector<8x1408xf32>
      %get3A_877 = arith.constant 0 : index
      %get3A_878 = arith.index_cast %multiple_of3A_867 : i32 to index
      %get3A_879 = vector.load %arg2[%get3A_877, %get3A_878] : memref<8x781952xf32, #tpu.memory_space<vmem>>, vector<8x1408xf32>
      %ge3A_880 = vector.broadcast %sub3A_868 : i32 to vector<8x1408xi32>
      %ge3A_881 = arith.cmpi sge, %iota3A, %ge3A_880 : vector<8x1408xi32>
      %sub3A_882 = arith.constant 1249 : i32
      %sub3A_883 = arith.subi %sub3A_882, %add3A_803 : i32
      %add3A_884 = arith.addi %sub3A_868, %sub3A_883 : i32
      %lt3A_885 = vector.broadcast %add3A_884 : i32 to vector<8x1408xi32>
      %lt3A_886 = arith.cmpi slt, %iota3A, %lt3A_885 : vector<8x1408xi32>
      %and3A_887 = arith.andi %ge3A_881, %lt3A_886 : vector<8x1408xi1>
      %select_n3A_888 = arith.select %and3A_887, %roll3A_876, %get3A_879 : vector<8x1408xi1>, vector<8x1408xf32>
      %swap3A_889 = arith.constant 0 : index
      %swap3A_890 = arith.index_cast %multiple_of3A_867 : i32 to index
      %swap3A_891 = vector.load %arg2[%swap3A_889, %swap3A_890] : memref<8x781952xf32, #tpu.memory_space<vmem>>, vector<8x1408xf32>
      tpu.vector_store %arg2[%swap3A_889, %swap3A_890], %select_n3A_888 {strides = array<i32>} : memref<8x781952xf32, #tpu.memory_space<vmem>>, vector<8x1408xf32>,
    }
    %scan3A_4 = arith.constant 5 : i32
    return
  }
  func.func @transform_0(%arg0: i32) -> (i32, i32, i32, i32, i32) {
    %c0_i32 = arith.constant 0 : i32
    %c0_i32_0 = arith.constant 0 : i32
    %c0_i32_1 = arith.constant 0 : i32
    %c0_i32_2 = arith.constant 0 : i32
    %c0_i32_3 = arith.constant 0 : i32
    return %c0_i32, %c0_i32_0, %arg0, %c0_i32_1, %c0_i32_2 : i32, i32, i32, i32, i32
  }
  func.func @transform_1(%arg0: i32) -> (i32, i32) {
    %c0_i32 = arith.constant 0 : i32
    %c0_i32_0 = arith.constant 0 : i32
    %c0_i32_1 = arith.constant 0 : i32
    return %c0_i32, %c0_i32_0 : i32, i32
  }
}

</mosaic_0001>

<sc_bundles>
// kernel: kernel.5.cloned.1.call-start
scs
__scs_entry_jumppad:
0x0: {  	(pc) =	sbr.rel $0x88, $3  }
0x1: {  	(tag) =	ssettag $0x0;
	lr =	simm.s32 $0x1  }
0x2: {  	[smem:$0x3F66] =	sst lr;
	_ =	strace $0xD0000000  }
0x3: {  	_ = 	snop  }
0x4: {  	_ = 	snop  }
0x5: {  	_ = 	snop  }
0x6: {  	_ = 	snop  }
0x7: {  	_ = 	snop  }
__scs_overlays_trampoline_lowered:
0x8: {  	[smem:$0x3F75] =	sst s0  }
0x9: {  	[smem:$0x3F76] =	sst s1  }
0xa: {  	[smem:$0x3F77] =	sst s2  }
0xb: {  	[smem:$0x3F78] =	sst s3  }
0xc: {  	[smem:$0x3F79] =	sst s4  }
0xd: {  	[smem:$0x3F7A] =	sst s5  }
0xe: {  	[smem:$0x3F7B] =	sst s6  }
0xf: {  	[smem:$0x3F7C] =	sst s7  }
0x10: {  	[smem:$0x3F7D] =	sst s8  }
0x11: {  	[smem:$0x3F7E] =	sst s9;
	s0 =	simm.s32 @!p0 $0x0  }
0x12: {  	s1 =	sld [smem:$0x3F64];
	s0 =	simm.s32 @p0 $0x1  }
0x13: {  	[smem:$0x3F7F] =	sst s0;
	s0 =	simm.s32 @!p1 $0x0  }
0x14: {  	s2 =	sld [smem:$0x3F63];
	s0 =	simm.s32 @p1 $0x1  }
0x15: {  	[smem:$0x3F80] =	sst s0;
	s0 =	simm.s32 @!p2 $0x0  }
0x16: {  	s3 =	sld [smem:$0x3FDB];
	s0 =	simm.s32 @p2 $0x1  }
0x17: {  	s4 =	simm.s32 $0x1BF5;
	[smem:$0x3F82] =	sst s0  }
0x18: {  	s0 =	sld [smem:$0x3F65];
	_ =	swait.ge [sflag:s4], $0x0  }
0x19: {  	s7 =	sld [smem:$0x3F66]  }
0x1a: {  	s8 =	sadd.s32 $0xFFFFE003, lr  }
0x1b: {  	s9 =	sadd.s32 $0xFFFFFEF7, lr;
	s5 =	simm.s32 $0xFFFFFFFF;
	p2 =	slt.u32 s8, $0xFFFFF086  }
0x1c: {  	p1 =	slt.u32 s9, $0xF7A;
	s5 =	simm.s32 @!p2 $0x0  }
0x1d: {  	s5 =	simm.s32 @p1 $0x1;
	p0 =	seq.s32 s7, s2  }
0x1e: {  	s7 =	smul.u32 @!p0 $0xF7A, s2;
	p2 =	seq.s32 @!p0 s5, $0x0  }
0x1f: {  	s9 =	smul.u32 $0xF7A, s1;
	s8 =	simm.s32 @!p0 $0x1BF5;
	p2 =	por !p2, p0  }
0x20: {  	[sflag:s8] =	ssyncset.s32 @!p0 $0xFFFFF086;
	s6 =	sadd.s32 @!p0 s3, s7;
	s7 =	simm.s32 @!p0 $0x108  }
0x21: {  	s3 =	sadd.s32 s3, s9;
	s6 =	sadd.s32 @!p0 $0x88, s6;
	s7 =	simm.s32 @p2 $0x1082  }
0x22: {  	[simem:s7], [sflag:s8] =	dma.local @!p0 [hbm:s6], $0xF7A  }
0x23: {  	s9 =	sor.u32 $0xD0000000, s2;
	s6 =	simm.s32 $0x108;
	_ =	swait.ge @!p0 [sflag:s8], $0x0  }
0x24: {  	s3 =	sadd.s32 $0x88, s3;
	s6 =	simm.s32 @!p1 $0x1082;
	[sflag:s4] =	ssyncset.s32 $0xFFFFF086  }
0x25: {  	[simem:s6], [sflag:s4] =	dma.local [hbm:s3], $0xF7A  }
0x26: {  	[smem:$0x3F66] =	sst s1;
	(tag) =	ssettag s2;
	_ =	strace s9  }
0x27: {  	s1 =	sld [smem:$0x3F76]  }
0x28: {  	s2 =	sld [smem:$0x3F77]  }
0x29: {  	s4 =	sld [smem:$0x3F79]  }
0x2a: {  	p0 =	seq.s32 s5, $0x0;
	s5 =	sld [smem:$0x3F7A]  }
0x2b: {  	s6 =	sld [smem:$0x3F7B]  }
0x2c: {  	s7 =	sld [smem:$0x3F7C]  }
0x2d: {  	s3 =	simm.s32 $0x108;
	s8 =	sld [smem:$0x3F7D]  }
0x2e: {  	s3 =	simm.s32 @!p0 $0x1082;
	s9 =	sld [smem:$0x3F7E]  }
0x2f: {  	lr =	sadd.s32 s0, s3;
	s0 =	sld [smem:$0x3F75]  }
0x30: {  	s3 =	sld [smem:$0x3F78]  }
0x31: {  	[smem:$0x3F81] =	sst s10  }
0x32: {  	s10 =	sld [smem:$0x3F7F];
	_ =	sdelay $0x3  }
0x33: {  	p0 =	seq.s32 s10, $0x1;
	s10 =	sld [smem:$0x3F81];
	_ =	sdelay $0x3  }
0x34: {  	[smem:$0x3F81] =	sst s10  }
0x35: {  	s10 =	sld [smem:$0x3F80];
	_ =	sdelay $0x3  }
0x36: {  	p1 =	seq.s32 s10, $0x1;
	s10 =	sld [smem:$0x3F81];
	_ =	sdelay $0x3  }
0x37: {  	[smem:$0x3F81] =	sst s10  }
0x38: {  	s10 =	sld [smem:$0x3F82]  }
0x39: {  	_ = 	snop;
	(pc) =	sbr.ind lr, $3  }
0x3a: {  	_ = 	snop  }
0x3b: {  	_ = 	snop  }
0x3c: {  	p2 =	seq.s32 s10, $0x1;
	s10 =	sld [smem:$0x3F81]  }
0x3d: {  	_ =	shalt  }
0x3e: {  	_ =	shalt  }
0x3f: {  	_ =	shalt  }
0x40: {  	_ =	shalt  }
0x41: {  	_ =	shalt  }
0x42: {  	_ =	shalt  }
0x43: {  	_ =	shalt  }
0x44: {  	_ =	shalt  }
0x45: {  	_ =	shalt  }
0x46: {  	_ =	shalt  }
0x47: {  	_ =	shalt  }
0x48: {  	_ =	shalt  }
0x49: {  	_ =	shalt  }
0x4a: {  	_ =	shalt  }
0x4b: {  	_ =	shalt  }
0x4c: {  	_ =	shalt  }
0x4d: {  	_ =	shalt  }
0x4e: {  	_ =	shalt  }
0x4f: {  	_ =	shalt  }
0x50: {  	_ =	shalt  }
0x51: {  	_ =	shalt  }
0x52: {  	_ =	shalt  }
0x53: {  	_ =	shalt  }
0x54: {  	_ =	shalt  }
0x55: {  	_ =	shalt  }
0x56: {  	_ =	shalt  }
0x57: {  	_ =	shalt  }
0x58: {  	_ =	shalt  }
0x59: {  	_ =	shalt  }
0x5a: {  	_ =	shalt  }
0x5b: {  	_ =	shalt  }
0x5c: {  	_ =	shalt  }
0x5d: {  	_ =	shalt  }
0x5e: {  	_ =	shalt  }
0x5f: {  	_ =	shalt  }
0x60: {  	_ =	shalt  }
0x61: {  	_ =	shalt  }
0x62: {  	_ =	shalt  }
0x63: {  	_ =	shalt  }
0x64: {  	_ =	shalt  }
0x65: {  	_ =	shalt  }
0x66: {  	_ =	shalt  }
0x67: {  	_ =	shalt  }
0x68: {  	_ =	shalt  }
0x69: {  	_ =	shalt  }
0x6a: {  	_ =	shalt  }
0x6b: {  	_ =	shalt  }
0x6c: {  	_ =	shalt  }
0x6d: {  	_ =	shalt  }
0x6e: {  	_ =	shalt  }
0x6f: {  	_ =	shalt  }
0x70: {  	_ =	shalt  }
0x71: {  	_ =	shalt  }
0x72: {  	_ =	shalt  }
0x73: {  	_ =	shalt  }
0x74: {  	_ =	shalt  }
0x75: {  	_ =	shalt  }
0x76: {  	_ =	shalt  }
0x77: {  	_ =	shalt  }
0x78: {  	_ =	shalt  }
0x79: {  	_ =	shalt  }
0x7a: {  	_ =	shalt  }
0x7b: {  	_ =	shalt  }
0x7c: {  	_ =	shalt  }
0x7d: {  	_ =	shalt  }
0x7e: {  	_ =	shalt  }
0x7f: {  	_ =	shalt  }
0x80: {  	_ =	shalt  }
0x81: {  	_ =	shalt  }
0x82: {  	_ =	shalt  }
0x83: {  	_ =	shalt  }
0x84: {  	_ =	shalt  }
0x85: {  	_ =	shalt  }
0x86: {  	_ =	shalt  }
0x87: {  	_ =	shalt  }
.Lfunc_end0:
.L_simem_size_0:
called_computation_lowered:
.L_overlay_start_0:
0x88: {  	s2 =	sld [smem:$0x3FD9]  }
0x89: {  	s3 =	sld [smem:$0x3FFE];
	_ =	sdelay $0x1  }
0x8a: {  	s1 =	srdreg.scid  }
0x8b: {  	s0 =	sand.u32 $0x1, s1  }
0x8c: {  	s14 =	sshll.u32 s0, $0xA;
	s2 =	sadd.s32 s3, s2  }
0x8d: {  	s2 =	sadd.s32 s2, s14  }
0x8e: {  	[smem:$0x3F8D] =	sst s2  }
0x8f: {  	_ = 	snop  }
0x90: {  	s2 =	sld [smem:$0x3FD0];
	_ =	sdelay $0x2  }
0x91: {  	s15 =	simm.s32 $0xA;
	s4 =	simm.s32 $0x10  }
0x92: {  	[smem:s4], [sflag:s15] =	dma.local [hbm:s2], $0x1  }
0x93: {  	_ =	swait.eq [sflag:s15], $0x1  }
0x94: {  	[sflag:s15] =	ssyncset.done $0x0  }
0x95: {  	[sflag:s15] =	ssyncadd.s32 $0xFFFFFFFF  }
0x96: {  	s16 =	sld [smem:$0x13];
	(tm) =	ssettm $0x1  }
0x97: {  	s17 =	sld [smem:$0x3FFB];
	_ =	sdelay $0x3  }
0x98: {  	_ =	strace s17  }
0x99: {  	s3 =	sld [smem:$0x3FFC];
	_ =	sdelay $0x3  }
0x9a: {  	_ =	strace s3  }
0x9b: {  	s3 =	sld [smem:$0x3FFD];
	_ =	sdelay $0x3  }
0x9c: {  	_ =	strace s3  }
0x9d: {  	_ =	strace $0x8FFFFFFF  }
0x9e: {  	s18 =	sld [smem:$0x3FDB];
	_ =	sdelay $0x1  }
0x9f: {  	s19 =	simm.s32 $_scs_section_size  }
0xa0: {  	s5 =	simm.s32 $_size__tile_overlayer_lowered;
	s6 =	simm.s32 $_tile_overlayer_lowered  }
0xa1: {  	s22 =	simm.s32 $0x1BFF;
	s21 =	sshll.u32 s6, $0x1;
	s3 =	sadd.s32 s19, s18  }
0xa2: {  	s7 =	simm.s32 $0x0;
	s20 =	sshll.u32 s5, $0x1;
	s5 =	sadd.s32 s21, s3  }
0xa3: {  	[timem:s7], [sflag:s22] =	dma.local [hbm:s5], s20  }
0xa4: {  	_ =	swait.ge [sflag:s22], s20  }
0xa5: {  	s4 =	ssub.s32 $0x0, s20;
	[sflag:s22] =	ssyncset.done $0x0  }
0xa6: {  	[sflag:s22] =	ssyncadd.s32 s4;
	_ =	sdelay $0x1  }
0xa7: {  	s23 =	simm.s32 $0x1B8B  }
0xa8: {  	_ =	swait.ge [sflag:s23], $0x1  }
0xa9: {  	[sflag:s23] =	ssyncset.done $0x0  }
0xaa: {  	s25 =	simm.s32 $0x1B8E;
	s24 =	sld [smem:$0x3FFE];
	[sflag:s23] =	ssyncadd.s32 $0xFFFFFFFF  }
0xab: {  	s26 =	simm.s32 $execute0_lowered;
	[smem:$0x3FD2] =	sst s25  }
0xac: {  	s5 =	sshll.u32 s26, $0x1;
	_ =	strace $0x80000046;
	[dreg:$0x1] =	wrdreg $0xFFFFFFFF  }
0xad: {  	s28 =	simm.s32 $_size_execute0_lowered;
	s3 =	sadd.s32 s3, s5;
	[dreg:$0x0] =	wrdreg $0x0  }
0xae: {  	s5 =	sshll.u32 s28, $0x1;
	[dreg:$0x2] =	wrdreg s3  }
0xaf: {  	[dreg:$0x3] =	wrdreg s5  }
0xb0: {  	[dreg:$0x4] =	wrdreg $0xC0  }
0xb1: {  	_ =	task [dreg:s7], $0x5FFFF  }
0xb2: {  	[dreg:$0x1] =	wrdreg $0xFFFFFFFF  }
0xb3: {  	[dreg:$0x0] =	wrdreg $0x60  }
0xb4: {  	[dreg:$0x2] =	wrdreg s24  }
0xb5: {  	[dreg:$0x3] =	wrdreg s16  }
0xb6: {  	[dreg:$0x4] =	wrdreg $0xEE000  }
0xb7: {  	[dreg:$0x5] =	wrdreg $0x9  }
0xb8: {  	_ =	task.clear_ibuf [dreg:s7], $0x6FFFF;
	_ =	strace $0x90000046  }
0xb9: {  	s29 =	simm.s32 $0x9;
	_ =	strace $0x80000048  }
0xba: {  	_ =	swait.ge [sflag:s29], $0x1  }
0xbb: {  	[sflag:s29] =	ssyncadd.s32 $0xFFFFFFFF  }
0xbc: {  	_ =	strace $0x90000048  }
0xbd: {  	_ =	sfence  }
0xbe: {  	s30 =	sld [smem:$0x0];
	_ =	sdelay $0x2  }
0xbf: {  	s31 =	sshll.u32 s1, $0xD;
	s1 =	sshrl.u32 s1, $0x2  }
0xc0: {  	s3 =	sand.u32 $0x4000, s31;
	s1 =	sadd.s32 s1, s30  }
0xc1: {  	s0 =	sor.u32 s3, s0;
	s1 =	sshll.u32 s1, $0x11  }
0xc2: {  	s0 =	sor.u32 s1, s0  }
0xc3: {  	s0 =	sadd.s32 $0x8F2B, s0  }
0xc4: {  	[sflag:s0] =	ssyncadd.remote.s32 $0x1  }
0xc5: {  	_ =	sfence.sel $0xFFFF  }
0xc6: {  	[dreg:$0x0] =	wrdreg $0xFFFFFFFF;
	(pc) =	sbr.abs _section_cstart, $3  }
0xc7: {  	[dreg:$0x1] =	wrdreg $0xFFFFFFFF  }
0xc8: {  	_ =	task.clear_ibuf [dreg:s7], $0x2FFFF;
	_ =	strace $0x9FFFFFFF  }
0xc9: {  	(tm) =	ssettm $0x7FFFFFFF  }
tec
execute0_lowered:
.L_overlay_start_1:
0x0: {  	(tag) =	ssettag $0x1  }
0x1: {  	s5 =	rddreg [dreg:$0x0]  }
0x2: {  	s6 =	rddreg [dreg:$0x1]  }
0x3: {  	s2 =	rddreg [dreg:$0x2]  }
0x4: {  	s0 =	rddreg [dreg:$0x3];
	s4 =	srdreg.scid  }
0x5: {  	s1 =	stileid.u32;
	s3 =	simm.s32 $0x0;
	s13 =	simm.s32 $0xC680  }
0x6: {  	s14 =	simm.s32 $0x80;
	s15 =	simm.s32 $0x1;
	s16 =	simm.s32 $0x0  }
0x7: {  	s4 =	sand.u32 $0x1, s4;
	s7 =	smul.u32 $0x2710, s1;
	[smem:$0x7FF] =	sst s3  }
0x8: {  	s8 =	sshll.u32 s4, $0x4;
	s9 =	smul.u32 $0x27100, s4;
	_ =	strace $0x80000047  }
0x9: {  	s10 =	ssub.s32 $0x2, s4;
	s4 =	sadd.s32 $0x11400, s5;
	s8 =	sor.u32 s1, s8  }
0xa: {  	s11 =	sshrl.u32 s10, $0x1;
	s8 =	smul.u32 $0x4E2, s8;
	s9 =	sadd.s32 s7, s9  }
0xb: {  	s10 =	ssub.s32 s10, s11;
	s7 =	sadd.s32 s7, s2;
	s9 =	sshrl.u32 s9, $0x3  }
0xc: {  	s11 =	simm.s32 $0x2780;
	s12 =	sadd.s32 s8, s5;
	s9 =	sadd.s32 s9, s5  }
0xd: {  	s6 =	sadd.s32 s6, s8;
	s5 =	sadd.s32 $0x7600, s12;
	s8 =	sadd.s32 $0x11A00, s9  }
0xe: {  	v0 =	vimm.f32 $0.0e+00;
	v1 =	vimm.f32 $1.000000000e+00;
	v2 =	vimm.s32 $0x27100;
	s9 =	smax.u32 s10, $0x1;
	s10 =	simm.s32 $0x2;
	s12 =	simm.s32 $0x4F00  }
.LBB2_1:
0xf: {  	[tilespmem:s3], [sflag:$0x2] =	stream.linear.gather [hbm4b:s4+s3], $0x2780, $0x38;
	[tilespmem:$0x11518] =	vst v63  }
0x10: {  	_ =	swait.ge [sflag:s10], $0x2780  }
0x11: {  	[sflag:s10] =	ssyncset.done $0x0  }
0x12: {  	[sflag:s10] =	ssyncadd.s32 $0xFFFFD880  }
0x13: {  	[tilespmem:s11], [sflag:$0x2] =	stream.linear.gather [hbm4b:s5+s3], $0x2710, $0x38;
	[tilespmem:$0x11518] =	vst v63  }
0x14: {  	_ =	swait.ge [sflag:s10], $0x2710  }
0x15: {  	[sflag:s10] =	ssyncset.done $0x0  }
0x16: {  	[sflag:s10] =	ssyncadd.s32 $0xFFFFD8F0  }
0x17: {  	[tilespmem:s12], [sflag:$0x2] =	stream.linear.gather [hbm4b:s6+s3], $0x2710, $0x38;
	[tilespmem:$0x11518] =	vst v63  }
0x18: {  	_ =	swait.ge [sflag:s10], $0x2710  }
0x19: {  	[sflag:s10] =	ssyncset.done $0x0  }
0x1a: {  	s17 =	simm.s32 $0x40;
	s18 =	simm.s32 $0x0;
	[sflag:s10] =	ssyncadd.s32 $0xFFFFD8F0  }
.LBB2_2:
0x1b: {  	p0 =	sne.s32 s17, $0x9C00;
	[tilespmem:s18+$0xC680] =	vst v0;
	s18 =	smov.u32 s17;
	s17 =	sadd.s32 $0x40, s17  }
.Ltmp0:
0x1c: {  	(pc) =	sbr.rel @p0 .LBB2_2-.Ltmp0, $2  }
0x1d: {  	_ =	sdelay $0x2  }
0x1e: {  	s18 =	sshra.s32 s18, $0x2  }
0x1f: {  	[tilespmem:s18+$0xC680] =	vst v0  }
0x20: {  	[spmem:s7] =	stream.linear.scatter [tilespmem:s13], [sflag:$0x2], $0x2710, $0x38;
	[tilespmem:$0x11518] =	vst v63  }
0x21: {  	_ =	swait.ge [sflag:s10], $0x2710  }
0x22: {  	s17 =	simm.s32 $0x0;
	[sflag:s10] =	ssyncset.done $0x0  }
0x23: {  	s18 =	simm.s32 $0x40;
	s19 =	simm.s32 $0x0;
	[sflag:s10] =	ssyncadd.s32 $0xFFFFD8F0  }
.LBB2_4:
0x24: {  	p0 =	sne.s32 s18, $0x9DC0;
	[tilespmem:s19+$0x9E80] =	vst v1;
	s20 =	smov.u32 s18;
	s18 =	sadd.s32 $0x40, s18  }
.Ltmp1:
0x25: {  	[tilespmem:s19+$0x7680] =	vst v2;
	(pc) =	sbr.rel @p0 .LBB2_4-.Ltmp1, $2  }
0x26: {  	_ =	sdelay $0x2  }
0x27: {  	s19 =	sshra.s32 s20, $0x2  }
0x28: {  	[tilespmem:s19+$0x9E80] =	vst v1  }
0x29: {  	[tilespmem:s19+$0x7680] =	vst v2;
	s18 =	simm.s32 $0x0  }
0x2a: {  	v3 =	vld [tilespmem:s18+$0x2780];
	_ =	sdelay $0x6  }
0x2b: {  	v4 =	vld [tilespmem:s18+$0x4F00]  }
0x2c: {  	v3 =	vld.idx.msk [tilespmem:v3+s3+$0x0], $0xffff;
	_ =	sdelay $0x2  }
0x2d: {  	s31 =	sand.u32 $0xFE00, s17  }
0x2e: {  	s20 =	sand.u32 $0x70, s17;
	s21 =	sshrl.u32 s31, $0x2;
	v4 =	vshll.u32 v4, $0x4  }
0x2f: {  	s19 =	simm.s32 $0x80;
	s18 =	simm.s32 $0x40;
	s20 =	sor.u32 s20, s21;
	v3 =	vadd.s32 v3, v4  }
.LBB2_6:
0x30: {  	s21 =	sshra.s32 s18, $0x2  }
0x31: {  	[tilespmem:s20+$0x7680] =	vst v3;
	s17 =	sadd.s32 $0x10, s17;
	s20 =	smov.u32 s19;
	s22 =	sadd.s32 $0x40, s19  }
0x32: {  	p0 =	sne.s32 s19, $0x9C00;
	v3 =	vld [tilespmem:s21+$0x2780];
	_ =	sdelay $0x6  }
0x33: {  	v4 =	vld [tilespmem:s21+$0x4F00]  }
0x34: {  	v3 =	vld.idx.msk [tilespmem:v3+s3+$0x0], $0xffff;
	_ =	sdelay $0x1  }
.Ltmp2:
0x35: {  	(pc) =	sbr.rel @p0 .LBB2_6-.Ltmp2, $4  }
0x36: {  	_ = 	snop  }
0x37: {  	s19 =	sand.u32 $0xFE00, s18;
	s18 =	smov.u32 s20  }
0x38: {  	s20 =	sand.u32 $0x70, s17;
	s19 =	sshrl.u32 s19, $0x2;
	v4 =	vshll.u32 v4, $0x4  }
0x39: {  	s20 =	sor.u32 s20, s19;
	s19 =	smov.u32 s22;
	v3 =	vadd.s32 v3, v4  }
0x3a: {  	s19 =	sshra.s32 s18, $0x2;
	[tilespmem:s20+$0x7680] =	vst v3  }
0x3b: {  	v3 =	vld [tilespmem:s19+$0x2780];
	_ =	sdelay $0x6  }
0x3c: {  	v4 =	vld [tilespmem:s19+$0x4F00]  }
0x3d: {  	v3 =	vld.idx.msk [tilespmem:v3+s3+$0x0], $0xffff;
	_ =	sdelay $0x2  }
0x3e: {  	s17 =	sadd.s32 $0x10, s17;
	s31 =	sand.u32 $0xFE00, s18  }
0x3f: {  	s17 =	sand.u32 $0x70, s17;
	s18 =	sshrl.u32 s31, $0x2;
	v4 =	vshll.u32 v4, $0x4  }
0x40: {  	s17 =	sor.u32 s17, s18;
	v3 =	vadd.s32 v3, v4  }
0x41: {  	[tilespmem:s17+$0x7680] =	vst v3  }
0x42: {  	s17 =	simm.s32 $0x0;
	[bflag:$0x0] =	sbarrier.arrive $0xFFFF  }
.LBB2_8:
0x43: {  	p0 =	sne.s32 s17, $0x9C00  }
.Ltmp3:
0x44: {  	_ = 	snop;
	(pc) =	sbr.rel @p0 .LBB2_8-.Ltmp3, $4  }
0x45: {  	_ = 	snop  }
0x46: {  	s18 =	sshra.s32 s17, $0x2  }
0x47: {  	s17 =	sadd.s32 $0x200, s17;
	s19 =	sadd.s32 $0x9E80, s18;
	s18 =	sadd.s32 $0x7680, s18  }
0x48: {  	[spmem:s2] =	stream.indirect.scatter.add.f32 [tilespmem:s19], [sflag:$0x1], $0x1, s18, s14, $0xb8;
	[tilespmem:$0x11518] =	vst v63  }
0x49: {  	_ =	swait.ge [sflag:s15], $0x80  }
0x4a: {  	s17 =	simm.s32 $0x4E;
	[sflag:s15] =	ssyncset.done $0x0  }
.LBB2_10:
0x4b: {  	p0 =	sne.s32 s17, $0x1;
	s17 =	sadd.s32 $0xFFFFFFFF, s17;
	[sflag:s15] =	ssyncadd.s32 $0xFFFFFF80  }
.Ltmp4:
0x4c: {  	(pc) =	sbr.rel @p0 .LBB2_10-.Ltmp4, $3  }
0x4d: {  	_ =	sdelay $0x1  }
0x4e: {  	_ =	swait.ge [sflag:s15], $0x80  }
0x4f: {  	[sflag:s15] =	ssyncset.done $0x0  }
0x50: {  	[sflag:s15] =	ssyncadd.s32 $0xFFFFFF80  }
0x51: {  	[bflag:$0x0] =	sbarrier.arrive $0xFFFF  }
0x52: {  	[tilespmem:s13], [sflag:$0x2] =	stream.linear.gather [spmem:s7], $0x2710, $0x38;
	[tilespmem:$0x11518] =	vst v63  }
0x53: {  	s16 =	sadd.s32 $0x1, s16;
	_ =	swait.ge [sflag:s10], $0x2710  }
0x54: {  	p0 =	sne.s32 s16, s9;
	[sflag:s10] =	ssyncset.done $0x0  }
.Ltmp5:
0x55: {  	[sflag:s10] =	ssyncadd.s32 $0xFFFFD8F0;
	(pc) =	sbr.rel @p0 .LBB2_1-.Ltmp5, $4  }
0x56: {  	[hbm4b:s8+s3] =	stream.linear.scatter [tilespmem:s13], [sflag:$0x2], $0x2710, $0x38;
	[tilespmem:$0x11518] =	vst v63  }
0x57: {  	_ =	swait.ge [sflag:s10], $0x2710  }
0x58: {  	[sflag:s10] =	ssyncset.done $0x0  }
0x59: {  	[sflag:s10] =	ssyncadd.s32 $0xFFFFD8F0  }
0x5a: {  	_ =	sfence.sel $0x180000  }
0x5b: {  	[bflag:$0x0] =	sbarrier.arrive $0xFFFF  }
0x5c: {  	p0 =	sne.s32 s1, $0x0;
	_ =	strace $0x90000047  }
0x5d: {  	s0 =	sadd.s32 @!p0 $0x100000, s0;
	[bflag:$0x2] =	sbarrier.arrive $0xFFFF  }
0x5e: {  	[sflag:s0] =	ssyncadd.tile.s32 @!p0 $0x1;
	_ =	shalt  }
.Lfunc_end2:
_tile_overlayer_lowered:
.L_overlay_start_2:
0x5f: {  	(tag) =	ssettag $0x2  }
0x60: {  	s0 =	rddreg [dreg:$0x0];
	s2 =	stileid.u32  }
0x61: {  	s1 =	rddreg [dreg:$0x1];
	p0 =	sne.s32 s2, $0x0  }
0x62: {  	s3 =	rddreg [dreg:$0x2];
	[bflag:$0x3] =	sbarrier.arrive $0xFFFF;
	s2 =	simm.s32 @!p0 $0x1C02  }
0x63: {  	[timem:s3], [sflag:s2] =	dma.local @!p0 [hbm:s0], s1  }
0x64: {  	s0 =	simm.s32 @!p0 $0x2  }
0x65: {  	_ =	swait.ge @!p0 [sflag:s0], s1  }
0x66: {  	s1 =	ssub.s32 @!p0 $0x0, s1;
	[sflag:s0] =	ssyncset.done @!p0 $0x0  }
0x67: {  	[sflag:s0] =	ssyncadd.s32 @!p0 s1  }
0x68: {  	[bflag:$0x3] =	sbarrier.arrive $0xFFFF  }
0x69: {  	_ =	shalt  }

</sc_bundles>
